<compile_context>
chip_gen: v7x
topology: tpu7x:2x2x1
jax: 0.10.2.dev20260603
libtpu: 0.0.44.dev20260713+nightly
codegen_flags: <defaults>
</compile_context>

<pallas_src>
import jax
import jax.numpy as jnp
from jax import lax
from jax.experimental import pallas as pl
from jax.experimental.pallas import tpu as pltpu
from jax.experimental.pallas import tpu_sc as plsc

B, C, H, W = 8, 192, 112, 112
HO, WO = 2 * H, 2 * W
M = B * C
PIX = H * W
OPIX = HO * WO
NC, NS, L = 2, 16, 16
NW = NC * NS
CH = 2
CPIX = PIX // CH
COPIX = OPIX // CH
NCHUNK = M * CH
PER_WC = NCHUNK // NW
HL = H // CH
GPR = W // L


def _unpool_body(vals_hbm, idx_hbm, out_hbm,
                 val0, val1, idx0, idx1, img0, img1,
                 sv0, sv1, si0, si1, so0, so1):
    wid = lax.axis_index("s") * NC + lax.axis_index("c")
    two_iota = lax.iota(jnp.int32, L) * 2
    zerov = jnp.zeros((L,), jnp.float32)
    t0 = wid * PER_WC

    bufs = ((val0, idx0, img0, sv0, si0, so0),
            (val1, idx1, img1, sv1, si1, so1))

    pltpu.async_copy(vals_hbm.at[t0], val0, sv0)
    pltpu.async_copy(idx_hbm.at[t0], idx0, si0)

    def pair_loop(jj, carry):
        for P, (val_v, idx_v, img, sv, si, so) in enumerate(bufs):
            t = t0 + jj * 2 + P
            pltpu.make_async_copy(vals_hbm.at[t], val_v, sv).wait()
            pltpu.make_async_copy(idx_hbm.at[t], idx_v, si).wait()
            nval, nidx, _, nsv, nsi, _ = bufs[1 - P]
            if P == 0:
                pltpu.async_copy(vals_hbm.at[t + 1], nval, nsv)
                pltpu.async_copy(idx_hbm.at[t + 1], nidx, nsi)
            else:
                @pl.when(jj < PER_WC // 2 - 1)
                def _prefetch():
                    pltpu.async_copy(vals_hbm.at[t + 1], nval, nsv)
                    pltpu.async_copy(idx_hbm.at[t + 1], nidx, nsi)

            @pl.when(jj >= 1)
            def _wait_prev():
                pltpu.make_async_copy(img, out_hbm.at[t - 2], so).wait()

            def row(hl, c):
                rb = hl * (2 * WO)
                ib = hl * W
                for g in range(GPR):
                    iv = idx_v[pl.ds(ib + g * L, L)]
                    vv = val_v[pl.ds(ib + g * L, L)]
                    basev = two_iota + (rb + 2 * L * g)
                    d = (iv - COPIX * P) - basev
                    plsc.store_scatter(
                        img, [basev], jnp.where(d == 0, vv, zerov))
                    plsc.store_scatter(
                        img, [basev + 1], jnp.where(d == 1, vv, zerov))
                    plsc.store_scatter(
                        img, [basev + WO], jnp.where(d == WO, vv, zerov))
                    plsc.store_scatter(
                        img, [basev + (WO + 1)],
                        jnp.where(d == WO + 1, vv, zerov))
                return c

            lax.fori_loop(0, HL, row, 0)
            pltpu.async_copy(img, out_hbm.at[t], so)
        return carry

    lax.fori_loop(0, PER_WC // 2, pair_loop, 0)
    tend = t0 + PER_WC
    pltpu.make_async_copy(img0, out_hbm.at[tend - 2], so0).wait()
    pltpu.make_async_copy(img1, out_hbm.at[tend - 1], so1).wait()


@jax.jit
def kernel(f_maps, indices):
    vals = f_maps.reshape(NCHUNK, CPIX)
    idx = indices.reshape(NCHUNK, CPIX).astype(jnp.int32)
    mesh = plsc.VectorSubcoreMesh(
        core_axis_name="c", subcore_axis_name="s",
        num_cores=NC, num_subcores=NS,
    )
    out = pl.kernel(
        _unpool_body,
        out_type=jax.ShapeDtypeStruct((NCHUNK, COPIX), jnp.float32),
        mesh=mesh,
        scratch_types=[
            pltpu.VMEM((CPIX,), jnp.float32),
            pltpu.VMEM((CPIX,), jnp.float32),
            pltpu.VMEM((CPIX,), jnp.int32),
            pltpu.VMEM((CPIX,), jnp.int32),
            pltpu.VMEM((COPIX,), jnp.float32),
            pltpu.VMEM((COPIX,), jnp.float32),
            pltpu.SemaphoreType.DMA,
            pltpu.SemaphoreType.DMA,
            pltpu.SemaphoreType.DMA,
            pltpu.SemaphoreType.DMA,
            pltpu.SemaphoreType.DMA,
            pltpu.SemaphoreType.DMA,
        ],
        compiler_params=pltpu.CompilerParams(needs_layout_passes=False),
    )(vals, idx)
    return out.reshape(B, C, HO, WO)

# --- scband reference (transcript-rebuilt; emitter-appended) ---
"""Pipeline reference for scband-crop-max-unpool2d-3702261809631 (READ-ONLY COPY).

The authoritative reference and input builder live on the scoring server;
editing this copy changes nothing except your own understanding.
"""

import jax, jax.numpy as jnp
import numpy as np

KERNEL = 2
STRIDE = 2


def setup_inputs(seed: int = 0) -> dict:
    key = jax.random.key(seed)
    k1, k2, k3 = jax.random.split(key, 3)
    B, C, H, W = 8, 192, 112, 112
    f_maps = jax.random.normal(k1, (B, C, H, W), dtype=jnp.float32)
    H_out = (H - 1) * STRIDE + KERNEL
    W_out = (W - 1) * STRIDE + KERNEL
    # Realistic maxpool indices: one winner per non-overlapping 2x2 window (collision-free)
    r = jax.random.randint(k2, (B, C, H, W), 0, KERNEL)
    c = jax.random.randint(k3, (B, C, H, W), 0, KERNEL)
    rows = jnp.arange(H)[None, None, :, None] * STRIDE + r
    cols = jnp.arange(W)[None, None, None, :] * STRIDE + c
    indices = (rows * W_out + cols).astype(jnp.int64)
    return {"f_maps": f_maps, "indices": indices}


def reference(f_maps, indices):
    # MaxUnpool2d(kernel_size=2, stride=2): scatter f_maps values into a zero
    # output of spatial size ((H-1)*stride + kernel) using flattened per-channel indices.
    B, C, H, W = f_maps.shape
    H_out = (H - 1) * STRIDE + KERNEL
    W_out = (W - 1) * STRIDE + KERNEL
    flat_vals = f_maps.reshape(B * C, H * W)
    flat_idx = indices.reshape(B * C, H * W)
    out = jnp.zeros((B * C, H_out * W_out), dtype=f_maps.dtype)
    out = out.at[jnp.arange(B * C)[:, None], flat_idx].set(flat_vals)
    # padding arg is None in this configuration -> no crop
    return out.reshape(B, C, H_out, W_out)

if __name__ == "__main__":
    import jax
    _d = setup_inputs()
    print(jax.jit(kernel)(*tuple(_d.values())))

</pallas_src>

<mosaic_0001>
#map = affine_map<(d0, d1) -> (0, 0)>
module attributes {stable_mosaic.version = 14 : i64} {
  func.func @_unpool_body(%arg0: i32, %arg1: i32, %arg2: memref<3072x6272xf32, #tpu.memory_space<hbm>>, %arg3: memref<3072x6272xi32, #tpu.memory_space<hbm>>, %arg4: memref<3072x25088xf32, #tpu.memory_space<hbm>>, %arg5: memref<6272xf32, #tpu.memory_space<vmem>>, %arg6: memref<6272xf32, #tpu.memory_space<vmem>>, %arg7: memref<6272xi32, #tpu.memory_space<vmem>>, %arg8: memref<6272xi32, #tpu.memory_space<vmem>>, %arg9: memref<25088xf32, #tpu.memory_space<vmem>>, %arg10: memref<25088xf32, #tpu.memory_space<vmem>>, %arg11: memref<!tpu.dma_semaphore, #tpu.memory_space<semaphore_mem>>, %arg12: memref<!tpu.dma_semaphore, #tpu.memory_space<semaphore_mem>>, %arg13: memref<!tpu.dma_semaphore, #tpu.memory_space<semaphore_mem>>, %arg14: memref<!tpu.dma_semaphore, #tpu.memory_space<semaphore_mem>>, %arg15: memref<!tpu.dma_semaphore, #tpu.memory_space<semaphore_mem>>, %arg16: memref<!tpu.dma_semaphore, #tpu.memory_space<semaphore_mem>>) attributes {dimension_semantics = [#tpu.dimension_semantics<core_parallel>, #tpu.dimension_semantics<subcore_parallel>], iteration_bounds = array<i64: 2, 16>, scalar_prefetch = 0 : i64, scratch_operands = 12 : i64, tpu.core_type = #tpu.core_type<sc_vector_subcore>, window_params = [{transform_indices = #map}, {transform_indices = #map}, {transform_indices = #map}]} {
    %mul3A = arith.constant 2 : i32
    %mul3A_0 = arith.muli %arg1, %mul3A : i32
    %add3A = arith.addi %mul3A_0, %arg0 : i32
    %iota3A = tpu.iota {dimensions = array<i32: 0>} : vector<16xi32>
    %mul3A_1 = arith.constant 2 : i32
    %mul3A_2 = vector.broadcast %mul3A_1 : i32 to vector<16xi32>
    %mul3A_3 = arith.muli %iota3A, %mul3A_2 : vector<16xi32>
    %broadcast_in_dim3A = arith.constant 0.000000e+00 : f32
    %broadcast_in_dim3A_4 = vector.broadcast %broadcast_in_dim3A : f32 to vector<16xf32>
    %mul3A_5 = arith.constant 96 : i32
    %mul3A_6 = arith.muli %add3A, %mul3A_5 : i32
    %dma_start3A = arith.constant 0 : i32
    %dma_start3A_7 = tpu.memref_slice %arg2[%mul3A_6, %dma_start3A] : memref<3072x6272xf32, #tpu.memory_space<hbm>> -> memref<1x6272xf32, #tpu.memory_space<hbm>>
    %dma_start3A_8 = tpu.memref_squeeze %dma_start3A_7 : memref<1x6272xf32, #tpu.memory_space<hbm>> -> memref<6272xf32, #tpu.memory_space<hbm>>
    %dma_start3A_9 = arith.constant 0 : i32
    %dma_start3A_10 = tpu.memref_slice %arg2[%mul3A_6, %dma_start3A_9] : memref<3072x6272xf32, #tpu.memory_space<hbm>> -> memref<1x6272xf32, #tpu.memory_space<hbm>>
    %dma_start3A_11 = tpu.memref_squeeze %dma_start3A_10 : memref<1x6272xf32, #tpu.memory_space<hbm>> -> memref<6272xf32, #tpu.memory_space<hbm>>
    tpu.enqueue_dma source(%dma_start3A_11 : memref<6272xf32, #tpu.memory_space<hbm>>) target(%arg5 : memref<6272xf32, #tpu.memory_space<vmem>>) target_semaphore(%arg11 : memref<!tpu.dma_semaphore, #tpu.memory_space<semaphore_mem>>)
    %dma_start3A_12 = arith.constant 0 : i32
    %dma_start3A_13 = tpu.memref_slice %arg3[%mul3A_6, %dma_start3A_12] : memref<3072x6272xi32, #tpu.memory_space<hbm>> -> memref<1x6272xi32, #tpu.memory_space<hbm>>
    %dma_start3A_14 = tpu.memref_squeeze %dma_start3A_13 : memref<1x6272xi32, #tpu.memory_space<hbm>> -> memref<6272xi32, #tpu.memory_space<hbm>>
    %dma_start3A_15 = arith.constant 0 : i32
    %dma_start3A_16 = tpu.memref_slice %arg3[%mul3A_6, %dma_start3A_15] : memref<3072x6272xi32, #tpu.memory_space<hbm>> -> memref<1x6272xi32, #tpu.memory_space<hbm>>
    %dma_start3A_17 = tpu.memref_squeeze %dma_start3A_16 : memref<1x6272xi32, #tpu.memory_space<hbm>> -> memref<6272xi32, #tpu.memory_space<hbm>>
    tpu.enqueue_dma source(%dma_start3A_17 : memref<6272xi32, #tpu.memory_space<hbm>>) target(%arg7 : memref<6272xi32, #tpu.memory_space<vmem>>) target_semaphore(%arg13 : memref<!tpu.dma_semaphore, #tpu.memory_space<semaphore_mem>>)
    %scan3A = arith.constant 0 : i32
    %scan3A_18 = arith.constant 0 : i32
    %scan3A_19 = arith.constant 48 : i32
    %scan3A_20 = arith.addi %scan3A_18, %scan3A_19 : i32
    %scan3A_21 = arith.constant 1 : i32
    scf.for %scan3A_39 = %scan3A_18 to %scan3A_20 step %scan3A_21  : i32 {
      %mul3A_40 = arith.constant 2 : i32
      %mul3A_41 = arith.muli %scan3A_39, %mul3A_40 : i32
      %add3A_42 = arith.addi %mul3A_6, %mul3A_41 : i32
      %add3A_43 = arith.constant 0 : i32
      %add3A_44 = arith.addi %add3A_42, %add3A_43 : i32
      %dma_wait3A_45 = arith.constant 0 : i32
      %dma_wait3A_46 = tpu.memref_slice %arg2[%add3A_44, %dma_wait3A_45] : memref<3072x6272xf32, #tpu.memory_space<hbm>> -> memref<1x6272xf32, #tpu.memory_space<hbm>>
      %dma_wait3A_47 = tpu.memref_squeeze %dma_wait3A_46 : memref<1x6272xf32, #tpu.memory_space<hbm>> -> memref<6272xf32, #tpu.memory_space<hbm>>
      %dma_wait3A_48 = arith.constant 0 : i32
      %dma_wait3A_49 = tpu.memref_slice %arg2[%add3A_44, %dma_wait3A_48] : memref<3072x6272xf32, #tpu.memory_space<hbm>> -> memref<1x6272xf32, #tpu.memory_space<hbm>>
      %dma_wait3A_50 = tpu.memref_squeeze %dma_wait3A_49 : memref<1x6272xf32, #tpu.memory_space<hbm>> -> memref<6272xf32, #tpu.memory_space<hbm>>
      tpu.wait_dma2 semaphore(%arg11 : memref<!tpu.dma_semaphore, #tpu.memory_space<semaphore_mem>>) src(%dma_wait3A_50 : memref<6272xf32, #tpu.memory_space<hbm>>) dst(%arg5 : memref<6272xf32, #tpu.memory_space<vmem>>)
      %dma_wait3A_51 = arith.constant 0 : i32
      %dma_wait3A_52 = tpu.memref_slice %arg3[%add3A_44, %dma_wait3A_51] : memref<3072x6272xi32, #tpu.memory_space<hbm>> -> memref<1x6272xi32, #tpu.memory_space<hbm>>
      %dma_wait3A_53 = tpu.memref_squeeze %dma_wait3A_52 : memref<1x6272xi32, #tpu.memory_space<hbm>> -> memref<6272xi32, #tpu.memory_space<hbm>>
      %dma_wait3A_54 = arith.constant 0 : i32
      %dma_wait3A_55 = tpu.memref_slice %arg3[%add3A_44, %dma_wait3A_54] : memref<3072x6272xi32, #tpu.memory_space<hbm>> -> memref<1x6272xi32, #tpu.memory_space<hbm>>
      %dma_wait3A_56 = tpu.memref_squeeze %dma_wait3A_55 : memref<1x6272xi32, #tpu.memory_space<hbm>> -> memref<6272xi32, #tpu.memory_space<hbm>>
      tpu.wait_dma2 semaphore(%arg13 : memref<!tpu.dma_semaphore, #tpu.memory_space<semaphore_mem>>) src(%dma_wait3A_56 : memref<6272xi32, #tpu.memory_space<hbm>>) dst(%arg7 : memref<6272xi32, #tpu.memory_space<vmem>>)
      %add3A_57 = arith.constant 1 : i32
      %add3A_58 = arith.addi %add3A_44, %add3A_57 : i32
      %dma_start3A_59 = arith.constant 0 : i32
      %dma_start3A_60 = tpu.memref_slice %arg2[%add3A_58, %dma_start3A_59] : memref<3072x6272xf32, #tpu.memory_space<hbm>> -> memref<1x6272xf32, #tpu.memory_space<hbm>>
      %dma_start3A_61 = tpu.memref_squeeze %dma_start3A_60 : memref<1x6272xf32, #tpu.memory_space<hbm>> -> memref<6272xf32, #tpu.memory_space<hbm>>
      %dma_start3A_62 = arith.constant 0 : i32
      %dma_start3A_63 = tpu.memref_slice %arg2[%add3A_58, %dma_start3A_62] : memref<3072x6272xf32, #tpu.memory_space<hbm>> -> memref<1x6272xf32, #tpu.memory_space<hbm>>
      %dma_start3A_64 = tpu.memref_squeeze %dma_start3A_63 : memref<1x6272xf32, #tpu.memory_space<hbm>> -> memref<6272xf32, #tpu.memory_space<hbm>>
      tpu.enqueue_dma source(%dma_start3A_64 : memref<6272xf32, #tpu.memory_space<hbm>>) target(%arg6 : memref<6272xf32, #tpu.memory_space<vmem>>) target_semaphore(%arg12 : memref<!tpu.dma_semaphore, #tpu.memory_space<semaphore_mem>>)
      %add3A_65 = arith.constant 1 : i32
      %add3A_66 = arith.addi %add3A_44, %add3A_65 : i32
      %dma_start3A_67 = arith.constant 0 : i32
      %dma_start3A_68 = tpu.memref_slice %arg3[%add3A_66, %dma_start3A_67] : memref<3072x6272xi32, #tpu.memory_space<hbm>> -> memref<1x6272xi32, #tpu.memory_space<hbm>>
      %dma_start3A_69 = tpu.memref_squeeze %dma_start3A_68 : memref<1x6272xi32, #tpu.memory_space<hbm>> -> memref<6272xi32, #tpu.memory_space<hbm>>
      %dma_start3A_70 = arith.constant 0 : i32
      %dma_start3A_71 = tpu.memref_slice %arg3[%add3A_66, %dma_start3A_70] : memref<3072x6272xi32, #tpu.memory_space<hbm>> -> memref<1x6272xi32, #tpu.memory_space<hbm>>
      %dma_start3A_72 = tpu.memref_squeeze %dma_start3A_71 : memref<1x6272xi32, #tpu.memory_space<hbm>> -> memref<6272xi32, #tpu.memory_space<hbm>>
      tpu.enqueue_dma source(%dma_start3A_72 : memref<6272xi32, #tpu.memory_space<hbm>>) target(%arg8 : memref<6272xi32, #tpu.memory_space<vmem>>) target_semaphore(%arg14 : memref<!tpu.dma_semaphore, #tpu.memory_space<semaphore_mem>>)
      %ge3A = arith.constant 1 : i32
      %ge3A_73 = arith.cmpi sge, %scan3A_39, %ge3A : i32
      %convert_element_type3A = arith.extui %ge3A_73 : i1 to i32
      %cond3A = arith.constant 0 : i32
      %cond3A_74 = arith.cmpi ne, %convert_element_type3A, %cond3A : i32
      scf.if %cond3A_74 {
        %sub3A_125 = arith.constant 2 : i32
        %sub3A_126 = arith.subi %add3A_44, %sub3A_125 : i32
        %dma_wait3A_127 = arith.constant 0 : i32
        %dma_wait3A_128 = tpu.memref_slice %arg4[%sub3A_126, %dma_wait3A_127] : memref<3072x25088xf32, #tpu.memory_space<hbm>> -> memref<1x25088xf32, #tpu.memory_space<hbm>>
        %dma_wait3A_129 = tpu.memref_squeeze %dma_wait3A_128 : memref<1x25088xf32, #tpu.memory_space<hbm>> -> memref<25088xf32, #tpu.memory_space<hbm>>
        %dma_wait3A_130 = arith.constant 0 : i32
        %dma_wait3A_131 = tpu.memref_slice %arg4[%sub3A_126, %dma_wait3A_130] : memref<3072x25088xf32, #tpu.memory_space<hbm>> -> memref<1x25088xf32, #tpu.memory_space<hbm>>
        %dma_wait3A_132 = tpu.memref_squeeze %dma_wait3A_131 : memref<1x25088xf32, #tpu.memory_space<hbm>> -> memref<25088xf32, #tpu.memory_space<hbm>>
        tpu.wait_dma2 semaphore(%arg15 : memref<!tpu.dma_semaphore, #tpu.memory_space<semaphore_mem>>) src(%arg9 : memref<25088xf32, #tpu.memory_space<vmem>>) dst(%dma_wait3A_132 : memref<25088xf32, #tpu.memory_space<hbm>>)
      } else {
      }
      %scan3A_75 = arith.constant 0 : i32
      %scan3A_76 = arith.constant 0 : i32
      %scan3A_77 = arith.constant 56 : i32
      %scan3A_78 = arith.addi %scan3A_76, %scan3A_77 : i32
      %scan3A_79 = arith.constant 1 : i32
      scf.for %scan3A_125 = %scan3A_76 to %scan3A_78 step %scan3A_79  : i32 {
        %mul3A_126 = arith.constant 448 : i32
        %mul3A_127 = arith.muli %scan3A_125, %mul3A_126 : i32
        %mul3A_128 = arith.constant 112 : i32
        %mul3A_129 = arith.muli %scan3A_125, %mul3A_128 : i32
        %add3A_130 = arith.constant 0 : i32
        %add3A_131 = arith.addi %mul3A_129, %add3A_130 : i32
        %get3A = arith.index_cast %add3A_131 : i32 to index
        %get3A_132 = tpu.vector_load %arg7[%get3A] {strides = array<i32>} : memref<6272xi32, #tpu.memory_space<vmem>>, vector<16xi32>,
        %add3A_133 = arith.constant 0 : i32
        %add3A_134 = arith.addi %mul3A_129, %add3A_133 : i32
        %get3A_135 = arith.index_cast %add3A_134 : i32 to index
        %get3A_136 = tpu.vector_load %arg5[%get3A_135] {strides = array<i32>} : memref<6272xf32, #tpu.memory_space<vmem>>, vector<16xf32>,
        %add3A_137 = arith.constant 0 : i32
        %add3A_138 = arith.addi %mul3A_127, %add3A_137 : i32
        %add3A_139 = vector.broadcast %add3A_138 : i32 to vector<16xi32>
        %add3A_140 = arith.addi %mul3A_3, %add3A_139 : vector<16xi32>
        %sub3A_141 = arith.constant 0 : i32
        %sub3A_142 = vector.broadcast %sub3A_141 : i32 to vector<16xi32>
        %sub3A_143 = arith.subi %get3A_132, %sub3A_142 : vector<16xi32>
        %sub3A_144 = arith.subi %sub3A_143, %add3A_140 : vector<16xi32>
        %eq3A = arith.constant 0 : i32
        %eq3A_145 = vector.broadcast %eq3A : i32 to vector<16xi32>
        %eq3A_146 = arith.cmpi eq, %sub3A_144, %eq3A_145 : vector<16xi32>
        %select_n3A = arith.select %eq3A_146, %get3A_136, %broadcast_in_dim3A_4 : vector<16xi1>, vector<16xf32>
        tpu.vector_store_idx %arg9[%add3A_140], %select_n3A : memref<25088xf32, #tpu.memory_space<vmem>>[vector<16xi32>], vector<16xf32>,
        %add3A_147 = arith.constant 1 : i32
        %add3A_148 = vector.broadcast %add3A_147 : i32 to vector<16xi32>
        %add3A_149 = arith.addi %add3A_140, %add3A_148 : vector<16xi32>
        %eq3A_150 = arith.constant 1 : i32
        %eq3A_151 = vector.broadcast %eq3A_150 : i32 to vector<16xi32>
        %eq3A_152 = arith.cmpi eq, %sub3A_144, %eq3A_151 : vector<16xi32>
        %select_n3A_153 = arith.select %eq3A_152, %get3A_136, %broadcast_in_dim3A_4 : vector<16xi1>, vector<16xf32>
        tpu.vector_store_idx %arg9[%add3A_149], %select_n3A_153 : memref<25088xf32, #tpu.memory_space<vmem>>[vector<16xi32>], vector<16xf32>,
        %add3A_154 = arith.constant 224 : i32
        %add3A_155 = vector.broadcast %add3A_154 : i32 to vector<16xi32>
        %add3A_156 = arith.addi %add3A_140, %add3A_155 : vector<16xi32>
        %eq3A_157 = arith.constant 224 : i32
        %eq3A_158 = vector.broadcast %eq3A_157 : i32 to vector<16xi32>
        %eq3A_159 = arith.cmpi eq, %sub3A_144, %eq3A_158 : vector<16xi32>
        %select_n3A_160 = arith.select %eq3A_159, %get3A_136, %broadcast_in_dim3A_4 : vector<16xi1>, vector<16xf32>
        tpu.vector_store_idx %arg9[%add3A_156], %select_n3A_160 : memref<25088xf32, #tpu.memory_space<vmem>>[vector<16xi32>], vector<16xf32>,
        %add3A_161 = arith.constant 225 : i32
        %add3A_162 = vector.broadcast %add3A_161 : i32 to vector<16xi32>
        %add3A_163 = arith.addi %add3A_140, %add3A_162 : vector<16xi32>
        %eq3A_164 = arith.constant 225 : i32
        %eq3A_165 = vector.broadcast %eq3A_164 : i32 to vector<16xi32>
        %eq3A_166 = arith.cmpi eq, %sub3A_144, %eq3A_165 : vector<16xi32>
        %select_n3A_167 = arith.select %eq3A_166, %get3A_136, %broadcast_in_dim3A_4 : vector<16xi1>, vector<16xf32>
        tpu.vector_store_idx %arg9[%add3A_163], %select_n3A_167 : memref<25088xf32, #tpu.memory_space<vmem>>[vector<16xi32>], vector<16xf32>,
        %add3A_168 = arith.constant 16 : i32
        %add3A_169 = arith.addi %mul3A_129, %add3A_168 : i32
        %get3A_170 = arith.index_cast %add3A_169 : i32 to index
        %get3A_171 = tpu.vector_load %arg7[%get3A_170] {strides = array<i32>} : memref<6272xi32, #tpu.memory_space<vmem>>, vector<16xi32>,
        %add3A_172 = arith.constant 16 : i32
        %add3A_173 = arith.addi %mul3A_129, %add3A_172 : i32
        %get3A_174 = arith.index_cast %add3A_173 : i32 to index
        %get3A_175 = tpu.vector_load %arg5[%get3A_174] {strides = array<i32>} : memref<6272xf32, #tpu.memory_space<vmem>>, vector<16xf32>,
        %add3A_176 = arith.constant 32 : i32
        %add3A_177 = arith.addi %mul3A_127, %add3A_176 : i32
        %add3A_178 = vector.broadcast %add3A_177 : i32 to vector<16xi32>
        %add3A_179 = arith.addi %mul3A_3, %add3A_178 : vector<16xi32>
        %sub3A_180 = arith.constant 0 : i32
        %sub3A_181 = vector.broadcast %sub3A_180 : i32 to vector<16xi32>
        %sub3A_182 = arith.subi %get3A_171, %sub3A_181 : vector<16xi32>
        %sub3A_183 = arith.subi %sub3A_182, %add3A_179 : vector<16xi32>
        %eq3A_184 = arith.constant 0 : i32
        %eq3A_185 = vector.broadcast %eq3A_184 : i32 to vector<16xi32>
        %eq3A_186 = arith.cmpi eq, %sub3A_183, %eq3A_185 : vector<16xi32>
        %select_n3A_187 = arith.select %eq3A_186, %get3A_175, %broadcast_in_dim3A_4 : vector<16xi1>, vector<16xf32>
        tpu.vector_store_idx %arg9[%add3A_179], %select_n3A_187 : memref<25088xf32, #tpu.memory_space<vmem>>[vector<16xi32>], vector<16xf32>,
        %add3A_188 = arith.constant 1 : i32
        %add3A_189 = vector.broadcast %add3A_188 : i32 to vector<16xi32>
        %add3A_190 = arith.addi %add3A_179, %add3A_189 : vector<16xi32>
        %eq3A_191 = arith.constant 1 : i32
        %eq3A_192 = vector.broadcast %eq3A_191 : i32 to vector<16xi32>
        %eq3A_193 = arith.cmpi eq, %sub3A_183, %eq3A_192 : vector<16xi32>
        %select_n3A_194 = arith.select %eq3A_193, %get3A_175, %broadcast_in_dim3A_4 : vector<16xi1>, vector<16xf32>
        tpu.vector_store_idx %arg9[%add3A_190], %select_n3A_194 : memref<25088xf32, #tpu.memory_space<vmem>>[vector<16xi32>], vector<16xf32>,
        %add3A_195 = arith.constant 224 : i32
        %add3A_196 = vector.broadcast %add3A_195 : i32 to vector<16xi32>
        %add3A_197 = arith.addi %add3A_179, %add3A_196 : vector<16xi32>
        %eq3A_198 = arith.constant 224 : i32
        %eq3A_199 = vector.broadcast %eq3A_198 : i32 to vector<16xi32>
        %eq3A_200 = arith.cmpi eq, %sub3A_183, %eq3A_199 : vector<16xi32>
        %select_n3A_201 = arith.select %eq3A_200, %get3A_175, %broadcast_in_dim3A_4 : vector<16xi1>, vector<16xf32>
        tpu.vector_store_idx %arg9[%add3A_197], %select_n3A_201 : memref<25088xf32, #tpu.memory_space<vmem>>[vector<16xi32>], vector<16xf32>,
        %add3A_202 = arith.constant 225 : i32
        %add3A_203 = vector.broadcast %add3A_202 : i32 to vector<16xi32>
        %add3A_204 = arith.addi %add3A_179, %add3A_203 : vector<16xi32>
        %eq3A_205 = arith.constant 225 : i32
        %eq3A_206 = vector.broadcast %eq3A_205 : i32 to vector<16xi32>
        %eq3A_207 = arith.cmpi eq, %sub3A_183, %eq3A_206 : vector<16xi32>
        %select_n3A_208 = arith.select %eq3A_207, %get3A_175, %broadcast_in_dim3A_4 : vector<16xi1>, vector<16xf32>
        tpu.vector_store_idx %arg9[%add3A_204], %select_n3A_208 : memref<25088xf32, #tpu.memory_space<vmem>>[vector<16xi32>], vector<16xf32>,
        %add3A_209 = arith.constant 32 : i32
        %add3A_210 = arith.addi %mul3A_129, %add3A_209 : i32
        %get3A_211 = arith.index_cast %add3A_210 : i32 to index
        %get3A_212 = tpu.vector_load %arg7[%get3A_211] {strides = array<i32>} : memref<6272xi32, #tpu.memory_space<vmem>>, vector<16xi32>,
        %add3A_213 = arith.constant 32 : i32
        %add3A_214 = arith.addi %mul3A_129, %add3A_213 : i32
        %get3A_215 = arith.index_cast %add3A_214 : i32 to index
        %get3A_216 = tpu.vector_load %arg5[%get3A_215] {strides = array<i32>} : memref<6272xf32, #tpu.memory_space<vmem>>, vector<16xf32>,
        %add3A_217 = arith.constant 64 : i32
        %add3A_218 = arith.addi %mul3A_127, %add3A_217 : i32
        %add3A_219 = vector.broadcast %add3A_218 : i32 to vector<16xi32>
        %add3A_220 = arith.addi %mul3A_3, %add3A_219 : vector<16xi32>
        %sub3A_221 = arith.constant 0 : i32
        %sub3A_222 = vector.broadcast %sub3A_221 : i32 to vector<16xi32>
        %sub3A_223 = arith.subi %get3A_212, %sub3A_222 : vector<16xi32>
        %sub3A_224 = arith.subi %sub3A_223, %add3A_220 : vector<16xi32>
        %eq3A_225 = arith.constant 0 : i32
        %eq3A_226 = vector.broadcast %eq3A_225 : i32 to vector<16xi32>
        %eq3A_227 = arith.cmpi eq, %sub3A_224, %eq3A_226 : vector<16xi32>
        %select_n3A_228 = arith.select %eq3A_227, %get3A_216, %broadcast_in_dim3A_4 : vector<16xi1>, vector<16xf32>
        tpu.vector_store_idx %arg9[%add3A_220], %select_n3A_228 : memref<25088xf32, #tpu.memory_space<vmem>>[vector<16xi32>], vector<16xf32>,
        %add3A_229 = arith.constant 1 : i32
        %add3A_230 = vector.broadcast %add3A_229 : i32 to vector<16xi32>
        %add3A_231 = arith.addi %add3A_220, %add3A_230 : vector<16xi32>
        %eq3A_232 = arith.constant 1 : i32
        %eq3A_233 = vector.broadcast %eq3A_232 : i32 to vector<16xi32>
        %eq3A_234 = arith.cmpi eq, %sub3A_224, %eq3A_233 : vector<16xi32>
        %select_n3A_235 = arith.select %eq3A_234, %get3A_216, %broadcast_in_dim3A_4 : vector<16xi1>, vector<16xf32>
        tpu.vector_store_idx %arg9[%add3A_231], %select_n3A_235 : memref<25088xf32, #tpu.memory_space<vmem>>[vector<16xi32>], vector<16xf32>,
        %add3A_236 = arith.constant 224 : i32
        %add3A_237 = vector.broadcast %add3A_236 : i32 to vector<16xi32>
        %add3A_238 = arith.addi %add3A_220, %add3A_237 : vector<16xi32>
        %eq3A_239 = arith.constant 224 : i32
        %eq3A_240 = vector.broadcast %eq3A_239 : i32 to vector<16xi32>
        %eq3A_241 = arith.cmpi eq, %sub3A_224, %eq3A_240 : vector<16xi32>
        %select_n3A_242 = arith.select %eq3A_241, %get3A_216, %broadcast_in_dim3A_4 : vector<16xi1>, vector<16xf32>
        tpu.vector_store_idx %arg9[%add3A_238], %select_n3A_242 : memref<25088xf32, #tpu.memory_space<vmem>>[vector<16xi32>], vector<16xf32>,
        %add3A_243 = arith.constant 225 : i32
        %add3A_244 = vector.broadcast %add3A_243 : i32 to vector<16xi32>
        %add3A_245 = arith.addi %add3A_220, %add3A_244 : vector<16xi32>
        %eq3A_246 = arith.constant 225 : i32
        %eq3A_247 = vector.broadcast %eq3A_246 : i32 to vector<16xi32>
        %eq3A_248 = arith.cmpi eq, %sub3A_224, %eq3A_247 : vector<16xi32>
        %select_n3A_249 = arith.select %eq3A_248, %get3A_216, %broadcast_in_dim3A_4 : vector<16xi1>, vector<16xf32>
        tpu.vector_store_idx %arg9[%add3A_245], %select_n3A_249 : memref<25088xf32, #tpu.memory_space<vmem>>[vector<16xi32>], vector<16xf32>,
        %add3A_250 = arith.constant 48 : i32
        %add3A_251 = arith.addi %mul3A_129, %add3A_250 : i32
        %get3A_252 = arith.index_cast %add3A_251 : i32 to index
        %get3A_253 = tpu.vector_load %arg7[%get3A_252] {strides = array<i32>} : memref<6272xi32, #tpu.memory_space<vmem>>, vector<16xi32>,
        %add3A_254 = arith.constant 48 : i32
        %add3A_255 = arith.addi %mul3A_129, %add3A_254 : i32
        %get3A_256 = arith.index_cast %add3A_255 : i32 to index
        %get3A_257 = tpu.vector_load %arg5[%get3A_256] {strides = array<i32>} : memref<6272xf32, #tpu.memory_space<vmem>>, vector<16xf32>,
        %add3A_258 = arith.constant 96 : i32
        %add3A_259 = arith.addi %mul3A_127, %add3A_258 : i32
        %add3A_260 = vector.broadcast %add3A_259 : i32 to vector<16xi32>
        %add3A_261 = arith.addi %mul3A_3, %add3A_260 : vector<16xi32>
        %sub3A_262 = arith.constant 0 : i32
        %sub3A_263 = vector.broadcast %sub3A_262 : i32 to vector<16xi32>
        %sub3A_264 = arith.subi %get3A_253, %sub3A_263 : vector<16xi32>
        %sub3A_265 = arith.subi %sub3A_264, %add3A_261 : vector<16xi32>
        %eq3A_266 = arith.constant 0 : i32
        %eq3A_267 = vector.broadcast %eq3A_266 : i32 to vector<16xi32>
        %eq3A_268 = arith.cmpi eq, %sub3A_265, %eq3A_267 : vector<16xi32>
        %select_n3A_269 = arith.select %eq3A_268, %get3A_257, %broadcast_in_dim3A_4 : vector<16xi1>, vector<16xf32>
        tpu.vector_store_idx %arg9[%add3A_261], %select_n3A_269 : memref<25088xf32, #tpu.memory_space<vmem>>[vector<16xi32>], vector<16xf32>,
        %add3A_270 = arith.constant 1 : i32
        %add3A_271 = vector.broadcast %add3A_270 : i32 to vector<16xi32>
        %add3A_272 = arith.addi %add3A_261, %add3A_271 : vector<16xi32>
        %eq3A_273 = arith.constant 1 : i32
        %eq3A_274 = vector.broadcast %eq3A_273 : i32 to vector<16xi32>
        %eq3A_275 = arith.cmpi eq, %sub3A_265, %eq3A_274 : vector<16xi32>
        %select_n3A_276 = arith.select %eq3A_275, %get3A_257, %broadcast_in_dim3A_4 : vector<16xi1>, vector<16xf32>
        tpu.vector_store_idx %arg9[%add3A_272], %select_n3A_276 : memref<25088xf32, #tpu.memory_space<vmem>>[vector<16xi32>], vector<16xf32>,
        %add3A_277 = arith.constant 224 : i32
        %add3A_278 = vector.broadcast %add3A_277 : i32 to vector<16xi32>
        %add3A_279 = arith.addi %add3A_261, %add3A_278 : vector<16xi32>
        %eq3A_280 = arith.constant 224 : i32
        %eq3A_281 = vector.broadcast %eq3A_280 : i32 to vector<16xi32>
        %eq3A_282 = arith.cmpi eq, %sub3A_265, %eq3A_281 : vector<16xi32>
        %select_n3A_283 = arith.select %eq3A_282, %get3A_257, %broadcast_in_dim3A_4 : vector<16xi1>, vector<16xf32>
        tpu.vector_store_idx %arg9[%add3A_279], %select_n3A_283 : memref<25088xf32, #tpu.memory_space<vmem>>[vector<16xi32>], vector<16xf32>,
        %add3A_284 = arith.constant 225 : i32
        %add3A_285 = vector.broadcast %add3A_284 : i32 to vector<16xi32>
        %add3A_286 = arith.addi %add3A_261, %add3A_285 : vector<16xi32>
        %eq3A_287 = arith.constant 225 : i32
        %eq3A_288 = vector.broadcast %eq3A_287 : i32 to vector<16xi32>
        %eq3A_289 = arith.cmpi eq, %sub3A_265, %eq3A_288 : vector<16xi32>
        %select_n3A_290 = arith.select %eq3A_289, %get3A_257, %broadcast_in_dim3A_4 : vector<16xi1>, vector<16xf32>
        tpu.vector_store_idx %arg9[%add3A_286], %select_n3A_290 : memref<25088xf32, #tpu.memory_space<vmem>>[vector<16xi32>], vector<16xf32>,
        %add3A_291 = arith.constant 64 : i32
        %add3A_292 = arith.addi %mul3A_129, %add3A_291 : i32
        %get3A_293 = arith.index_cast %add3A_292 : i32 to index
        %get3A_294 = tpu.vector_load %arg7[%get3A_293] {strides = array<i32>} : memref<6272xi32, #tpu.memory_space<vmem>>, vector<16xi32>,
        %add3A_295 = arith.constant 64 : i32
        %add3A_296 = arith.addi %mul3A_129, %add3A_295 : i32
        %get3A_297 = arith.index_cast %add3A_296 : i32 to index
        %get3A_298 = tpu.vector_load %arg5[%get3A_297] {strides = array<i32>} : memref<6272xf32, #tpu.memory_space<vmem>>, vector<16xf32>,
        %add3A_299 = arith.constant 128 : i32
        %add3A_300 = arith.addi %mul3A_127, %add3A_299 : i32
        %add3A_301 = vector.broadcast %add3A_300 : i32 to vector<16xi32>
        %add3A_302 = arith.addi %mul3A_3, %add3A_301 : vector<16xi32>
        %sub3A_303 = arith.constant 0 : i32
        %sub3A_304 = vector.broadcast %sub3A_303 : i32 to vector<16xi32>
        %sub3A_305 = arith.subi %get3A_294, %sub3A_304 : vector<16xi32>
        %sub3A_306 = arith.subi %sub3A_305, %add3A_302 : vector<16xi32>
        %eq3A_307 = arith.constant 0 : i32
        %eq3A_308 = vector.broadcast %eq3A_307 : i32 to vector<16xi32>
        %eq3A_309 = arith.cmpi eq, %sub3A_306, %eq3A_308 : vector<16xi32>
        %select_n3A_310 = arith.select %eq3A_309, %get3A_298, %broadcast_in_dim3A_4 : vector<16xi1>, vector<16xf32>
        tpu.vector_store_idx %arg9[%add3A_302], %select_n3A_310 : memref<25088xf32, #tpu.memory_space<vmem>>[vector<16xi32>], vector<16xf32>,
        %add3A_311 = arith.constant 1 : i32
        %add3A_312 = vector.broadcast %add3A_311 : i32 to vector<16xi32>
        %add3A_313 = arith.addi %add3A_302, %add3A_312 : vector<16xi32>
        %eq3A_314 = arith.constant 1 : i32
        %eq3A_315 = vector.broadcast %eq3A_314 : i32 to vector<16xi32>
        %eq3A_316 = arith.cmpi eq, %sub3A_306, %eq3A_315 : vector<16xi32>
        %select_n3A_317 = arith.select %eq3A_316, %get3A_298, %broadcast_in_dim3A_4 : vector<16xi1>, vector<16xf32>
        tpu.vector_store_idx %arg9[%add3A_313], %select_n3A_317 : memref<25088xf32, #tpu.memory_space<vmem>>[vector<16xi32>], vector<16xf32>,
        %add3A_318 = arith.constant 224 : i32
        %add3A_319 = vector.broadcast %add3A_318 : i32 to vector<16xi32>
        %add3A_320 = arith.addi %add3A_302, %add3A_319 : vector<16xi32>
        %eq3A_321 = arith.constant 224 : i32
        %eq3A_322 = vector.broadcast %eq3A_321 : i32 to vector<16xi32>
        %eq3A_323 = arith.cmpi eq, %sub3A_306, %eq3A_322 : vector<16xi32>
        %select_n3A_324 = arith.select %eq3A_323, %get3A_298, %broadcast_in_dim3A_4 : vector<16xi1>, vector<16xf32>
        tpu.vector_store_idx %arg9[%add3A_320], %select_n3A_324 : memref<25088xf32, #tpu.memory_space<vmem>>[vector<16xi32>], vector<16xf32>,
        %add3A_325 = arith.constant 225 : i32
        %add3A_326 = vector.broadcast %add3A_325 : i32 to vector<16xi32>
        %add3A_327 = arith.addi %add3A_302, %add3A_326 : vector<16xi32>
        %eq3A_328 = arith.constant 225 : i32
        %eq3A_329 = vector.broadcast %eq3A_328 : i32 to vector<16xi32>
        %eq3A_330 = arith.cmpi eq, %sub3A_306, %eq3A_329 : vector<16xi32>
        %select_n3A_331 = arith.select %eq3A_330, %get3A_298, %broadcast_in_dim3A_4 : vector<16xi1>, vector<16xf32>
        tpu.vector_store_idx %arg9[%add3A_327], %select_n3A_331 : memref<25088xf32, #tpu.memory_space<vmem>>[vector<16xi32>], vector<16xf32>,
        %add3A_332 = arith.constant 80 : i32
        %add3A_333 = arith.addi %mul3A_129, %add3A_332 : i32
        %get3A_334 = arith.index_cast %add3A_333 : i32 to index
        %get3A_335 = tpu.vector_load %arg7[%get3A_334] {strides = array<i32>} : memref<6272xi32, #tpu.memory_space<vmem>>, vector<16xi32>,
        %add3A_336 = arith.constant 80 : i32
        %add3A_337 = arith.addi %mul3A_129, %add3A_336 : i32
        %get3A_338 = arith.index_cast %add3A_337 : i32 to index
        %get3A_339 = tpu.vector_load %arg5[%get3A_338] {strides = array<i32>} : memref<6272xf32, #tpu.memory_space<vmem>>, vector<16xf32>,
        %add3A_340 = arith.constant 160 : i32
        %add3A_341 = arith.addi %mul3A_127, %add3A_340 : i32
        %add3A_342 = vector.broadcast %add3A_341 : i32 to vector<16xi32>
        %add3A_343 = arith.addi %mul3A_3, %add3A_342 : vector<16xi32>
        %sub3A_344 = arith.constant 0 : i32
        %sub3A_345 = vector.broadcast %sub3A_344 : i32 to vector<16xi32>
        %sub3A_346 = arith.subi %get3A_335, %sub3A_345 : vector<16xi32>
        %sub3A_347 = arith.subi %sub3A_346, %add3A_343 : vector<16xi32>
        %eq3A_348 = arith.constant 0 : i32
        %eq3A_349 = vector.broadcast %eq3A_348 : i32 to vector<16xi32>
        %eq3A_350 = arith.cmpi eq, %sub3A_347, %eq3A_349 : vector<16xi32>
        %select_n3A_351 = arith.select %eq3A_350, %get3A_339, %broadcast_in_dim3A_4 : vector<16xi1>, vector<16xf32>
        tpu.vector_store_idx %arg9[%add3A_343], %select_n3A_351 : memref<25088xf32, #tpu.memory_space<vmem>>[vector<16xi32>], vector<16xf32>,
        %add3A_352 = arith.constant 1 : i32
        %add3A_353 = vector.broadcast %add3A_352 : i32 to vector<16xi32>
        %add3A_354 = arith.addi %add3A_343, %add3A_353 : vector<16xi32>
        %eq3A_355 = arith.constant 1 : i32
        %eq3A_356 = vector.broadcast %eq3A_355 : i32 to vector<16xi32>
        %eq3A_357 = arith.cmpi eq, %sub3A_347, %eq3A_356 : vector<16xi32>
        %select_n3A_358 = arith.select %eq3A_357, %get3A_339, %broadcast_in_dim3A_4 : vector<16xi1>, vector<16xf32>
        tpu.vector_store_idx %arg9[%add3A_354], %select_n3A_358 : memref<25088xf32, #tpu.memory_space<vmem>>[vector<16xi32>], vector<16xf32>,
        %add3A_359 = arith.constant 224 : i32
        %add3A_360 = vector.broadcast %add3A_359 : i32 to vector<16xi32>
        %add3A_361 = arith.addi %add3A_343, %add3A_360 : vector<16xi32>
        %eq3A_362 = arith.constant 224 : i32
        %eq3A_363 = vector.broadcast %eq3A_362 : i32 to vector<16xi32>
        %eq3A_364 = arith.cmpi eq, %sub3A_347, %eq3A_363 : vector<16xi32>
        %select_n3A_365 = arith.select %eq3A_364, %get3A_339, %broadcast_in_dim3A_4 : vector<16xi1>, vector<16xf32>
        tpu.vector_store_idx %arg9[%add3A_361], %select_n3A_365 : memref<25088xf32, #tpu.memory_space<vmem>>[vector<16xi32>], vector<16xf32>,
        %add3A_366 = arith.constant 225 : i32
        %add3A_367 = vector.broadcast %add3A_366 : i32 to vector<16xi32>
        %add3A_368 = arith.addi %add3A_343, %add3A_367 : vector<16xi32>
        %eq3A_369 = arith.constant 225 : i32
        %eq3A_370 = vector.broadcast %eq3A_369 : i32 to vector<16xi32>
        %eq3A_371 = arith.cmpi eq, %sub3A_347, %eq3A_370 : vector<16xi32>
        %select_n3A_372 = arith.select %eq3A_371, %get3A_339, %broadcast_in_dim3A_4 : vector<16xi1>, vector<16xf32>
        tpu.vector_store_idx %arg9[%add3A_368], %select_n3A_372 : memref<25088xf32, #tpu.memory_space<vmem>>[vector<16xi32>], vector<16xf32>,
        %add3A_373 = arith.constant 96 : i32
        %add3A_374 = arith.addi %mul3A_129, %add3A_373 : i32
        %get3A_375 = arith.index_cast %add3A_374 : i32 to index
        %get3A_376 = tpu.vector_load %arg7[%get3A_375] {strides = array<i32>} : memref<6272xi32, #tpu.memory_space<vmem>>, vector<16xi32>,
        %add3A_377 = arith.constant 96 : i32
        %add3A_378 = arith.addi %mul3A_129, %add3A_377 : i32
        %get3A_379 = arith.index_cast %add3A_378 : i32 to index
        %get3A_380 = tpu.vector_load %arg5[%get3A_379] {strides = array<i32>} : memref<6272xf32, #tpu.memory_space<vmem>>, vector<16xf32>,
        %add3A_381 = arith.constant 192 : i32
        %add3A_382 = arith.addi %mul3A_127, %add3A_381 : i32
        %add3A_383 = vector.broadcast %add3A_382 : i32 to vector<16xi32>
        %add3A_384 = arith.addi %mul3A_3, %add3A_383 : vector<16xi32>
        %sub3A_385 = arith.constant 0 : i32
        %sub3A_386 = vector.broadcast %sub3A_385 : i32 to vector<16xi32>
        %sub3A_387 = arith.subi %get3A_376, %sub3A_386 : vector<16xi32>
        %sub3A_388 = arith.subi %sub3A_387, %add3A_384 : vector<16xi32>
        %eq3A_389 = arith.constant 0 : i32
        %eq3A_390 = vector.broadcast %eq3A_389 : i32 to vector<16xi32>
        %eq3A_391 = arith.cmpi eq, %sub3A_388, %eq3A_390 : vector<16xi32>
        %select_n3A_392 = arith.select %eq3A_391, %get3A_380, %broadcast_in_dim3A_4 : vector<16xi1>, vector<16xf32>
        tpu.vector_store_idx %arg9[%add3A_384], %select_n3A_392 : memref<25088xf32, #tpu.memory_space<vmem>>[vector<16xi32>], vector<16xf32>,
        %add3A_393 = arith.constant 1 : i32
        %add3A_394 = vector.broadcast %add3A_393 : i32 to vector<16xi32>
        %add3A_395 = arith.addi %add3A_384, %add3A_394 : vector<16xi32>
        %eq3A_396 = arith.constant 1 : i32
        %eq3A_397 = vector.broadcast %eq3A_396 : i32 to vector<16xi32>
        %eq3A_398 = arith.cmpi eq, %sub3A_388, %eq3A_397 : vector<16xi32>
        %select_n3A_399 = arith.select %eq3A_398, %get3A_380, %broadcast_in_dim3A_4 : vector<16xi1>, vector<16xf32>
        tpu.vector_store_idx %arg9[%add3A_395], %select_n3A_399 : memref<25088xf32, #tpu.memory_space<vmem>>[vector<16xi32>], vector<16xf32>,
        %add3A_400 = arith.constant 224 : i32
        %add3A_401 = vector.broadcast %add3A_400 : i32 to vector<16xi32>
        %add3A_402 = arith.addi %add3A_384, %add3A_401 : vector<16xi32>
        %eq3A_403 = arith.constant 224 : i32
        %eq3A_404 = vector.broadcast %eq3A_403 : i32 to vector<16xi32>
        %eq3A_405 = arith.cmpi eq, %sub3A_388, %eq3A_404 : vector<16xi32>
        %select_n3A_406 = arith.select %eq3A_405, %get3A_380, %broadcast_in_dim3A_4 : vector<16xi1>, vector<16xf32>
        tpu.vector_store_idx %arg9[%add3A_402], %select_n3A_406 : memref<25088xf32, #tpu.memory_space<vmem>>[vector<16xi32>], vector<16xf32>,
        %add3A_407 = arith.constant 225 : i32
        %add3A_408 = vector.broadcast %add3A_407 : i32 to vector<16xi32>
        %add3A_409 = arith.addi %add3A_384, %add3A_408 : vector<16xi32>
        %eq3A_410 = arith.constant 225 : i32
        %eq3A_411 = vector.broadcast %eq3A_410 : i32 to vector<16xi32>
        %eq3A_412 = arith.cmpi eq, %sub3A_388, %eq3A_411 : vector<16xi32>
        %select_n3A_413 = arith.select %eq3A_412, %get3A_380, %broadcast_in_dim3A_4 : vector<16xi1>, vector<16xf32>
        tpu.vector_store_idx %arg9[%add3A_409], %select_n3A_413 : memref<25088xf32, #tpu.memory_space<vmem>>[vector<16xi32>], vector<16xf32>,
      }
      %scan3A_80 = arith.constant 56 : i32
      %dma_start3A_81 = arith.constant 0 : i32
      %dma_start3A_82 = tpu.memref_slice %arg4[%add3A_44, %dma_start3A_81] : memref<3072x25088xf32, #tpu.memory_space<hbm>> -> memref<1x25088xf32, #tpu.memory_space<hbm>>
      %dma_start3A_83 = tpu.memref_squeeze %dma_start3A_82 : memref<1x25088xf32, #tpu.memory_space<hbm>> -> memref<25088xf32, #tpu.memory_space<hbm>>
      %dma_start3A_84 = arith.constant 0 : i32
      %dma_start3A_85 = tpu.memref_slice %arg4[%add3A_44, %dma_start3A_84] : memref<3072x25088xf32, #tpu.memory_space<hbm>> -> memref<1x25088xf32, #tpu.memory_space<hbm>>
      %dma_start3A_86 = tpu.memref_squeeze %dma_start3A_85 : memref<1x25088xf32, #tpu.memory_space<hbm>> -> memref<25088xf32, #tpu.memory_space<hbm>>
      tpu.enqueue_dma source(%arg9 : memref<25088xf32, #tpu.memory_space<vmem>>) target(%dma_start3A_86 : memref<25088xf32, #tpu.memory_space<hbm>>) target_semaphore(%arg15 : memref<!tpu.dma_semaphore, #tpu.memory_space<semaphore_mem>>)
      %mul3A_87 = arith.constant 2 : i32
      %mul3A_88 = arith.muli %scan3A_39, %mul3A_87 : i32
      %add3A_89 = arith.addi %mul3A_6, %mul3A_88 : i32
      %add3A_90 = arith.constant 1 : i32
      %add3A_91 = arith.addi %add3A_89, %add3A_90 : i32
      %dma_wait3A_92 = arith.constant 0 : i32
      %dma_wait3A_93 = tpu.memref_slice %arg2[%add3A_91, %dma_wait3A_92] : memref<3072x6272xf32, #tpu.memory_space<hbm>> -> memref<1x6272xf32, #tpu.memory_space<hbm>>
      %dma_wait3A_94 = tpu.memref_squeeze %dma_wait3A_93 : memref<1x6272xf32, #tpu.memory_space<hbm>> -> memref<6272xf32, #tpu.memory_space<hbm>>
      %dma_wait3A_95 = arith.constant 0 : i32
      %dma_wait3A_96 = tpu.memref_slice %arg2[%add3A_91, %dma_wait3A_95] : memref<3072x6272xf32, #tpu.memory_space<hbm>> -> memref<1x6272xf32, #tpu.memory_space<hbm>>
      %dma_wait3A_97 = tpu.memref_squeeze %dma_wait3A_96 : memref<1x6272xf32, #tpu.memory_space<hbm>> -> memref<6272xf32, #tpu.memory_space<hbm>>
      tpu.wait_dma2 semaphore(%arg12 : memref<!tpu.dma_semaphore, #tpu.memory_space<semaphore_mem>>) src(%dma_wait3A_97 : memref<6272xf32, #tpu.memory_space<hbm>>) dst(%arg6 : memref<6272xf32, #tpu.memory_space<vmem>>)
      %dma_wait3A_98 = arith.constant 0 : i32
      %dma_wait3A_99 = tpu.memref_slice %arg3[%add3A_91, %dma_wait3A_98] : memref<3072x6272xi32, #tpu.memory_space<hbm>> -> memref<1x6272xi32, #tpu.memory_space<hbm>>
      %dma_wait3A_100 = tpu.memref_squeeze %dma_wait3A_99 : memref<1x6272xi32, #tpu.memory_space<hbm>> -> memref<6272xi32, #tpu.memory_space<hbm>>
      %dma_wait3A_101 = arith.constant 0 : i32
      %dma_wait3A_102 = tpu.memref_slice %arg3[%add3A_91, %dma_wait3A_101] : memref<3072x6272xi32, #tpu.memory_space<hbm>> -> memref<1x6272xi32, #tpu.memory_space<hbm>>
      %dma_wait3A_103 = tpu.memref_squeeze %dma_wait3A_102 : memref<1x6272xi32, #tpu.memory_space<hbm>> -> memref<6272xi32, #tpu.memory_space<hbm>>
      tpu.wait_dma2 semaphore(%arg14 : memref<!tpu.dma_semaphore, #tpu.memory_space<semaphore_mem>>) src(%dma_wait3A_103 : memref<6272xi32, #tpu.memory_space<hbm>>) dst(%arg8 : memref<6272xi32, #tpu.memory_space<vmem>>)
      %lt3A = arith.constant 47 : i32
      %lt3A_104 = arith.cmpi slt, %scan3A_39, %lt3A : i32
      %convert_element_type3A_105 = arith.extui %lt3A_104 : i1 to i32
      %cond3A_106 = arith.constant 0 : i32
      %cond3A_107 = arith.cmpi ne, %convert_element_type3A_105, %cond3A_106 : i32
      scf.if %cond3A_107 {
        %add3A_125 = arith.constant 1 : i32
        %add3A_126 = arith.addi %add3A_91, %add3A_125 : i32
        %dma_start3A_127 = arith.constant 0 : i32
        %dma_start3A_128 = tpu.memref_slice %arg2[%add3A_126, %dma_start3A_127] : memref<3072x6272xf32, #tpu.memory_space<hbm>> -> memref<1x6272xf32, #tpu.memory_space<hbm>>
        %dma_start3A_129 = tpu.memref_squeeze %dma_start3A_128 : memref<1x6272xf32, #tpu.memory_space<hbm>> -> memref<6272xf32, #tpu.memory_space<hbm>>
        %dma_start3A_130 = arith.constant 0 : i32
        %dma_start3A_131 = tpu.memref_slice %arg2[%add3A_126, %dma_start3A_130] : memref<3072x6272xf32, #tpu.memory_space<hbm>> -> memref<1x6272xf32, #tpu.memory_space<hbm>>
        %dma_start3A_132 = tpu.memref_squeeze %dma_start3A_131 : memref<1x6272xf32, #tpu.memory_space<hbm>> -> memref<6272xf32, #tpu.memory_space<hbm>>
        tpu.enqueue_dma source(%dma_start3A_132 : memref<6272xf32, #tpu.memory_space<hbm>>) target(%arg5 : memref<6272xf32, #tpu.memory_space<vmem>>) target_semaphore(%arg11 : memref<!tpu.dma_semaphore, #tpu.memory_space<semaphore_mem>>)
        %add3A_133 = arith.constant 1 : i32
        %add3A_134 = arith.addi %add3A_91, %add3A_133 : i32
        %dma_start3A_135 = arith.constant 0 : i32
        %dma_start3A_136 = tpu.memref_slice %arg3[%add3A_134, %dma_start3A_135] : memref<3072x6272xi32, #tpu.memory_space<hbm>> -> memref<1x6272xi32, #tpu.memory_space<hbm>>
        %dma_start3A_137 = tpu.memref_squeeze %dma_start3A_136 : memref<1x6272xi32, #tpu.memory_space<hbm>> -> memref<6272xi32, #tpu.memory_space<hbm>>
        %dma_start3A_138 = arith.constant 0 : i32
        %dma_start3A_139 = tpu.memref_slice %arg3[%add3A_134, %dma_start3A_138] : memref<3072x6272xi32, #tpu.memory_space<hbm>> -> memref<1x6272xi32, #tpu.memory_space<hbm>>
        %dma_start3A_140 = tpu.memref_squeeze %dma_start3A_139 : memref<1x6272xi32, #tpu.memory_space<hbm>> -> memref<6272xi32, #tpu.memory_space<hbm>>
        tpu.enqueue_dma source(%dma_start3A_140 : memref<6272xi32, #tpu.memory_space<hbm>>) target(%arg7 : memref<6272xi32, #tpu.memory_space<vmem>>) target_semaphore(%arg13 : memref<!tpu.dma_semaphore, #tpu.memory_space<semaphore_mem>>)
      } else {
      }
      %ge3A_108 = arith.constant 1 : i32
      %ge3A_109 = arith.cmpi sge, %scan3A_39, %ge3A_108 : i32
      %convert_element_type3A_110 = arith.extui %ge3A_109 : i1 to i32
      %cond3A_111 = arith.constant 0 : i32
      %cond3A_112 = arith.cmpi ne, %convert_element_type3A_110, %cond3A_111 : i32
      scf.if %cond3A_112 {
        %sub3A_125 = arith.constant 2 : i32
        %sub3A_126 = arith.subi %add3A_91, %sub3A_125 : i32
        %dma_wait3A_127 = arith.constant 0 : i32
        %dma_wait3A_128 = tpu.memref_slice %arg4[%sub3A_126, %dma_wait3A_127] : memref<3072x25088xf32, #tpu.memory_space<hbm>> -> memref<1x25088xf32, #tpu.memory_space<hbm>>
        %dma_wait3A_129 = tpu.memref_squeeze %dma_wait3A_128 : memref<1x25088xf32, #tpu.memory_space<hbm>> -> memref<25088xf32, #tpu.memory_space<hbm>>
        %dma_wait3A_130 = arith.constant 0 : i32
        %dma_wait3A_131 = tpu.memref_slice %arg4[%sub3A_126, %dma_wait3A_130] : memref<3072x25088xf32, #tpu.memory_space<hbm>> -> memref<1x25088xf32, #tpu.memory_space<hbm>>
        %dma_wait3A_132 = tpu.memref_squeeze %dma_wait3A_131 : memref<1x25088xf32, #tpu.memory_space<hbm>> -> memref<25088xf32, #tpu.memory_space<hbm>>
        tpu.wait_dma2 semaphore(%arg16 : memref<!tpu.dma_semaphore, #tpu.memory_space<semaphore_mem>>) src(%arg10 : memref<25088xf32, #tpu.memory_space<vmem>>) dst(%dma_wait3A_132 : memref<25088xf32, #tpu.memory_space<hbm>>)
      } else {
      }
      %scan3A_113 = arith.constant 0 : i32
      %scan3A_114 = arith.constant 0 : i32
      %scan3A_115 = arith.constant 56 : i32
      %scan3A_116 = arith.addi %scan3A_114, %scan3A_115 : i32
      %scan3A_117 = arith.constant 1 : i32
      scf.for %scan3A_125 = %scan3A_114 to %scan3A_116 step %scan3A_117  : i32 {
        %mul3A_126 = arith.constant 448 : i32
        %mul3A_127 = arith.muli %scan3A_125, %mul3A_126 : i32
        %mul3A_128 = arith.constant 112 : i32
        %mul3A_129 = arith.muli %scan3A_125, %mul3A_128 : i32
        %add3A_130 = arith.constant 0 : i32
        %add3A_131 = arith.addi %mul3A_129, %add3A_130 : i32
        %get3A = arith.index_cast %add3A_131 : i32 to index
        %get3A_132 = tpu.vector_load %arg8[%get3A] {strides = array<i32>} : memref<6272xi32, #tpu.memory_space<vmem>>, vector<16xi32>,
        %add3A_133 = arith.constant 0 : i32
        %add3A_134 = arith.addi %mul3A_129, %add3A_133 : i32
        %get3A_135 = arith.index_cast %add3A_134 : i32 to index
        %get3A_136 = tpu.vector_load %arg6[%get3A_135] {strides = array<i32>} : memref<6272xf32, #tpu.memory_space<vmem>>, vector<16xf32>,
        %add3A_137 = arith.constant 0 : i32
        %add3A_138 = arith.addi %mul3A_127, %add3A_137 : i32
        %add3A_139 = vector.broadcast %add3A_138 : i32 to vector<16xi32>
        %add3A_140 = arith.addi %mul3A_3, %add3A_139 : vector<16xi32>
        %sub3A_141 = arith.constant 25088 : i32
        %sub3A_142 = vector.broadcast %sub3A_141 : i32 to vector<16xi32>
        %sub3A_143 = arith.subi %get3A_132, %sub3A_142 : vector<16xi32>
        %sub3A_144 = arith.subi %sub3A_143, %add3A_140 : vector<16xi32>
        %eq3A = arith.constant 0 : i32
        %eq3A_145 = vector.broadcast %eq3A : i32 to vector<16xi32>
        %eq3A_146 = arith.cmpi eq, %sub3A_144, %eq3A_145 : vector<16xi32>
        %select_n3A = arith.select %eq3A_146, %get3A_136, %broadcast_in_dim3A_4 : vector<16xi1>, vector<16xf32>
        tpu.vector_store_idx %arg10[%add3A_140], %select_n3A : memref<25088xf32, #tpu.memory_space<vmem>>[vector<16xi32>], vector<16xf32>,
        %add3A_147 = arith.constant 1 : i32
        %add3A_148 = vector.broadcast %add3A_147 : i32 to vector<16xi32>
        %add3A_149 = arith.addi %add3A_140, %add3A_148 : vector<16xi32>
        %eq3A_150 = arith.constant 1 : i32
        %eq3A_151 = vector.broadcast %eq3A_150 : i32 to vector<16xi32>
        %eq3A_152 = arith.cmpi eq, %sub3A_144, %eq3A_151 : vector<16xi32>
        %select_n3A_153 = arith.select %eq3A_152, %get3A_136, %broadcast_in_dim3A_4 : vector<16xi1>, vector<16xf32>
        tpu.vector_store_idx %arg10[%add3A_149], %select_n3A_153 : memref<25088xf32, #tpu.memory_space<vmem>>[vector<16xi32>], vector<16xf32>,
        %add3A_154 = arith.constant 224 : i32
        %add3A_155 = vector.broadcast %add3A_154 : i32 to vector<16xi32>
        %add3A_156 = arith.addi %add3A_140, %add3A_155 : vector<16xi32>
        %eq3A_157 = arith.constant 224 : i32
        %eq3A_158 = vector.broadcast %eq3A_157 : i32 to vector<16xi32>
        %eq3A_159 = arith.cmpi eq, %sub3A_144, %eq3A_158 : vector<16xi32>
        %select_n3A_160 = arith.select %eq3A_159, %get3A_136, %broadcast_in_dim3A_4 : vector<16xi1>, vector<16xf32>
        tpu.vector_store_idx %arg10[%add3A_156], %select_n3A_160 : memref<25088xf32, #tpu.memory_space<vmem>>[vector<16xi32>], vector<16xf32>,
        %add3A_161 = arith.constant 225 : i32
        %add3A_162 = vector.broadcast %add3A_161 : i32 to vector<16xi32>
        %add3A_163 = arith.addi %add3A_140, %add3A_162 : vector<16xi32>
        %eq3A_164 = arith.constant 225 : i32
        %eq3A_165 = vector.broadcast %eq3A_164 : i32 to vector<16xi32>
        %eq3A_166 = arith.cmpi eq, %sub3A_144, %eq3A_165 : vector<16xi32>
        %select_n3A_167 = arith.select %eq3A_166, %get3A_136, %broadcast_in_dim3A_4 : vector<16xi1>, vector<16xf32>
        tpu.vector_store_idx %arg10[%add3A_163], %select_n3A_167 : memref<25088xf32, #tpu.memory_space<vmem>>[vector<16xi32>], vector<16xf32>,
        %add3A_168 = arith.constant 16 : i32
        %add3A_169 = arith.addi %mul3A_129, %add3A_168 : i32
        %get3A_170 = arith.index_cast %add3A_169 : i32 to index
        %get3A_171 = tpu.vector_load %arg8[%get3A_170] {strides = array<i32>} : memref<6272xi32, #tpu.memory_space<vmem>>, vector<16xi32>,
        %add3A_172 = arith.constant 16 : i32
        %add3A_173 = arith.addi %mul3A_129, %add3A_172 : i32
        %get3A_174 = arith.index_cast %add3A_173 : i32 to index
        %get3A_175 = tpu.vector_load %arg6[%get3A_174] {strides = array<i32>} : memref<6272xf32, #tpu.memory_space<vmem>>, vector<16xf32>,
        %add3A_176 = arith.constant 32 : i32
        %add3A_177 = arith.addi %mul3A_127, %add3A_176 : i32
        %add3A_178 = vector.broadcast %add3A_177 : i32 to vector<16xi32>
        %add3A_179 = arith.addi %mul3A_3, %add3A_178 : vector<16xi32>
        %sub3A_180 = arith.constant 25088 : i32
        %sub3A_181 = vector.broadcast %sub3A_180 : i32 to vector<16xi32>
        %sub3A_182 = arith.subi %get3A_171, %sub3A_181 : vector<16xi32>
        %sub3A_183 = arith.subi %sub3A_182, %add3A_179 : vector<16xi32>
        %eq3A_184 = arith.constant 0 : i32
        %eq3A_185 = vector.broadcast %eq3A_184 : i32 to vector<16xi32>
        %eq3A_186 = arith.cmpi eq, %sub3A_183, %eq3A_185 : vector<16xi32>
        %select_n3A_187 = arith.select %eq3A_186, %get3A_175, %broadcast_in_dim3A_4 : vector<16xi1>, vector<16xf32>
        tpu.vector_store_idx %arg10[%add3A_179], %select_n3A_187 : memref<25088xf32, #tpu.memory_space<vmem>>[vector<16xi32>], vector<16xf32>,
        %add3A_188 = arith.constant 1 : i32
        %add3A_189 = vector.broadcast %add3A_188 : i32 to vector<16xi32>
        %add3A_190 = arith.addi %add3A_179, %add3A_189 : vector<16xi32>
        %eq3A_191 = arith.constant 1 : i32
        %eq3A_192 = vector.broadcast %eq3A_191 : i32 to vector<16xi32>
        %eq3A_193 = arith.cmpi eq, %sub3A_183, %eq3A_192 : vector<16xi32>
        %select_n3A_194 = arith.select %eq3A_193, %get3A_175, %broadcast_in_dim3A_4 : vector<16xi1>, vector<16xf32>
        tpu.vector_store_idx %arg10[%add3A_190], %select_n3A_194 : memref<25088xf32, #tpu.memory_space<vmem>>[vector<16xi32>], vector<16xf32>,
        %add3A_195 = arith.constant 224 : i32
        %add3A_196 = vector.broadcast %add3A_195 : i32 to vector<16xi32>
        %add3A_197 = arith.addi %add3A_179, %add3A_196 : vector<16xi32>
        %eq3A_198 = arith.constant 224 : i32
        %eq3A_199 = vector.broadcast %eq3A_198 : i32 to vector<16xi32>
        %eq3A_200 = arith.cmpi eq, %sub3A_183, %eq3A_199 : vector<16xi32>
        %select_n3A_201 = arith.select %eq3A_200, %get3A_175, %broadcast_in_dim3A_4 : vector<16xi1>, vector<16xf32>
        tpu.vector_store_idx %arg10[%add3A_197], %select_n3A_201 : memref<25088xf32, #tpu.memory_space<vmem>>[vector<16xi32>], vector<16xf32>,
        %add3A_202 = arith.constant 225 : i32
        %add3A_203 = vector.broadcast %add3A_202 : i32 to vector<16xi32>
        %add3A_204 = arith.addi %add3A_179, %add3A_203 : vector<16xi32>
        %eq3A_205 = arith.constant 225 : i32
        %eq3A_206 = vector.broadcast %eq3A_205 : i32 to vector<16xi32>
        %eq3A_207 = arith.cmpi eq, %sub3A_183, %eq3A_206 : vector<16xi32>
        %select_n3A_208 = arith.select %eq3A_207, %get3A_175, %broadcast_in_dim3A_4 : vector<16xi1>, vector<16xf32>
        tpu.vector_store_idx %arg10[%add3A_204], %select_n3A_208 : memref<25088xf32, #tpu.memory_space<vmem>>[vector<16xi32>], vector<16xf32>,
        %add3A_209 = arith.constant 32 : i32
        %add3A_210 = arith.addi %mul3A_129, %add3A_209 : i32
        %get3A_211 = arith.index_cast %add3A_210 : i32 to index
        %get3A_212 = tpu.vector_load %arg8[%get3A_211] {strides = array<i32>} : memref<6272xi32, #tpu.memory_space<vmem>>, vector<16xi32>,
        %add3A_213 = arith.constant 32 : i32
        %add3A_214 = arith.addi %mul3A_129, %add3A_213 : i32
        %get3A_215 = arith.index_cast %add3A_214 : i32 to index
        %get3A_216 = tpu.vector_load %arg6[%get3A_215] {strides = array<i32>} : memref<6272xf32, #tpu.memory_space<vmem>>, vector<16xf32>,
        %add3A_217 = arith.constant 64 : i32
        %add3A_218 = arith.addi %mul3A_127, %add3A_217 : i32
        %add3A_219 = vector.broadcast %add3A_218 : i32 to vector<16xi32>
        %add3A_220 = arith.addi %mul3A_3, %add3A_219 : vector<16xi32>
        %sub3A_221 = arith.constant 25088 : i32
        %sub3A_222 = vector.broadcast %sub3A_221 : i32 to vector<16xi32>
        %sub3A_223 = arith.subi %get3A_212, %sub3A_222 : vector<16xi32>
        %sub3A_224 = arith.subi %sub3A_223, %add3A_220 : vector<16xi32>
        %eq3A_225 = arith.constant 0 : i32
        %eq3A_226 = vector.broadcast %eq3A_225 : i32 to vector<16xi32>
        %eq3A_227 = arith.cmpi eq, %sub3A_224, %eq3A_226 : vector<16xi32>
        %select_n3A_228 = arith.select %eq3A_227, %get3A_216, %broadcast_in_dim3A_4 : vector<16xi1>, vector<16xf32>
        tpu.vector_store_idx %arg10[%add3A_220], %select_n3A_228 : memref<25088xf32, #tpu.memory_space<vmem>>[vector<16xi32>], vector<16xf32>,
        %add3A_229 = arith.constant 1 : i32
        %add3A_230 = vector.broadcast %add3A_229 : i32 to vector<16xi32>
        %add3A_231 = arith.addi %add3A_220, %add3A_230 : vector<16xi32>
        %eq3A_232 = arith.constant 1 : i32
        %eq3A_233 = vector.broadcast %eq3A_232 : i32 to vector<16xi32>
        %eq3A_234 = arith.cmpi eq, %sub3A_224, %eq3A_233 : vector<16xi32>
        %select_n3A_235 = arith.select %eq3A_234, %get3A_216, %broadcast_in_dim3A_4 : vector<16xi1>, vector<16xf32>
        tpu.vector_store_idx %arg10[%add3A_231], %select_n3A_235 : memref<25088xf32, #tpu.memory_space<vmem>>[vector<16xi32>], vector<16xf32>,
        %add3A_236 = arith.constant 224 : i32
        %add3A_237 = vector.broadcast %add3A_236 : i32 to vector<16xi32>
        %add3A_238 = arith.addi %add3A_220, %add3A_237 : vector<16xi32>
        %eq3A_239 = arith.constant 224 : i32
        %eq3A_240 = vector.broadcast %eq3A_239 : i32 to vector<16xi32>
        %eq3A_241 = arith.cmpi eq, %sub3A_224, %eq3A_240 : vector<16xi32>
        %select_n3A_242 = arith.select %eq3A_241, %get3A_216, %broadcast_in_dim3A_4 : vector<16xi1>, vector<16xf32>
        tpu.vector_store_idx %arg10[%add3A_238], %select_n3A_242 : memref<25088xf32, #tpu.memory_space<vmem>>[vector<16xi32>], vector<16xf32>,
        %add3A_243 = arith.constant 225 : i32
        %add3A_244 = vector.broadcast %add3A_243 : i32 to vector<16xi32>
        %add3A_245 = arith.addi %add3A_220, %add3A_244 : vector<16xi32>
        %eq3A_246 = arith.constant 225 : i32
        %eq3A_247 = vector.broadcast %eq3A_246 : i32 to vector<16xi32>
        %eq3A_248 = arith.cmpi eq, %sub3A_224, %eq3A_247 : vector<16xi32>
        %select_n3A_249 = arith.select %eq3A_248, %get3A_216, %broadcast_in_dim3A_4 : vector<16xi1>, vector<16xf32>
        tpu.vector_store_idx %arg10[%add3A_245], %select_n3A_249 : memref<25088xf32, #tpu.memory_space<vmem>>[vector<16xi32>], vector<16xf32>,
        %add3A_250 = arith.constant 48 : i32
        %add3A_251 = arith.addi %mul3A_129, %add3A_250 : i32
        %get3A_252 = arith.index_cast %add3A_251 : i32 to index
        %get3A_253 = tpu.vector_load %arg8[%get3A_252] {strides = array<i32>} : memref<6272xi32, #tpu.memory_space<vmem>>, vector<16xi32>,
        %add3A_254 = arith.constant 48 : i32
        %add3A_255 = arith.addi %mul3A_129, %add3A_254 : i32
        %get3A_256 = arith.index_cast %add3A_255 : i32 to index
        %get3A_257 = tpu.vector_load %arg6[%get3A_256] {strides = array<i32>} : memref<6272xf32, #tpu.memory_space<vmem>>, vector<16xf32>,
        %add3A_258 = arith.constant 96 : i32
        %add3A_259 = arith.addi %mul3A_127, %add3A_258 : i32
        %add3A_260 = vector.broadcast %add3A_259 : i32 to vector<16xi32>
        %add3A_261 = arith.addi %mul3A_3, %add3A_260 : vector<16xi32>
        %sub3A_262 = arith.constant 25088 : i32
        %sub3A_263 = vector.broadcast %sub3A_262 : i32 to vector<16xi32>
        %sub3A_264 = arith.subi %get3A_253, %sub3A_263 : vector<16xi32>
        %sub3A_265 = arith.subi %sub3A_264, %add3A_261 : vector<16xi32>
        %eq3A_266 = arith.constant 0 : i32
        %eq3A_267 = vector.broadcast %eq3A_266 : i32 to vector<16xi32>
        %eq3A_268 = arith.cmpi eq, %sub3A_265, %eq3A_267 : vector<16xi32>
        %select_n3A_269 = arith.select %eq3A_268, %get3A_257, %broadcast_in_dim3A_4 : vector<16xi1>, vector<16xf32>
        tpu.vector_store_idx %arg10[%add3A_261], %select_n3A_269 : memref<25088xf32, #tpu.memory_space<vmem>>[vector<16xi32>], vector<16xf32>,
        %add3A_270 = arith.constant 1 : i32
        %add3A_271 = vector.broadcast %add3A_270 : i32 to vector<16xi32>
        %add3A_272 = arith.addi %add3A_261, %add3A_271 : vector<16xi32>
        %eq3A_273 = arith.constant 1 : i32
        %eq3A_274 = vector.broadcast %eq3A_273 : i32 to vector<16xi32>
        %eq3A_275 = arith.cmpi eq, %sub3A_265, %eq3A_274 : vector<16xi32>
        %select_n3A_276 = arith.select %eq3A_275, %get3A_257, %broadcast_in_dim3A_4 : vector<16xi1>, vector<16xf32>
        tpu.vector_store_idx %arg10[%add3A_272], %select_n3A_276 : memref<25088xf32, #tpu.memory_space<vmem>>[vector<16xi32>], vector<16xf32>,
        %add3A_277 = arith.constant 224 : i32
        %add3A_278 = vector.broadcast %add3A_277 : i32 to vector<16xi32>
        %add3A_279 = arith.addi %add3A_261, %add3A_278 : vector<16xi32>
        %eq3A_280 = arith.constant 224 : i32
        %eq3A_281 = vector.broadcast %eq3A_280 : i32 to vector<16xi32>
        %eq3A_282 = arith.cmpi eq, %sub3A_265, %eq3A_281 : vector<16xi32>
        %select_n3A_283 = arith.select %eq3A_282, %get3A_257, %broadcast_in_dim3A_4 : vector<16xi1>, vector<16xf32>
        tpu.vector_store_idx %arg10[%add3A_279], %select_n3A_283 : memref<25088xf32, #tpu.memory_space<vmem>>[vector<16xi32>], vector<16xf32>,
        %add3A_284 = arith.constant 225 : i32
        %add3A_285 = vector.broadcast %add3A_284 : i32 to vector<16xi32>
        %add3A_286 = arith.addi %add3A_261, %add3A_285 : vector<16xi32>
        %eq3A_287 = arith.constant 225 : i32
        %eq3A_288 = vector.broadcast %eq3A_287 : i32 to vector<16xi32>
        %eq3A_289 = arith.cmpi eq, %sub3A_265, %eq3A_288 : vector<16xi32>
        %select_n3A_290 = arith.select %eq3A_289, %get3A_257, %broadcast_in_dim3A_4 : vector<16xi1>, vector<16xf32>
        tpu.vector_store_idx %arg10[%add3A_286], %select_n3A_290 : memref<25088xf32, #tpu.memory_space<vmem>>[vector<16xi32>], vector<16xf32>,
        %add3A_291 = arith.constant 64 : i32
        %add3A_292 = arith.addi %mul3A_129, %add3A_291 : i32
        %get3A_293 = arith.index_cast %add3A_292 : i32 to index
        %get3A_294 = tpu.vector_load %arg8[%get3A_293] {strides = array<i32>} : memref<6272xi32, #tpu.memory_space<vmem>>, vector<16xi32>,
        %add3A_295 = arith.constant 64 : i32
        %add3A_296 = arith.addi %mul3A_129, %add3A_295 : i32
        %get3A_297 = arith.index_cast %add3A_296 : i32 to index
        %get3A_298 = tpu.vector_load %arg6[%get3A_297] {strides = array<i32>} : memref<6272xf32, #tpu.memory_space<vmem>>, vector<16xf32>,
        %add3A_299 = arith.constant 128 : i32
        %add3A_300 = arith.addi %mul3A_127, %add3A_299 : i32
        %add3A_301 = vector.broadcast %add3A_300 : i32 to vector<16xi32>
        %add3A_302 = arith.addi %mul3A_3, %add3A_301 : vector<16xi32>
        %sub3A_303 = arith.constant 25088 : i32
        %sub3A_304 = vector.broadcast %sub3A_303 : i32 to vector<16xi32>
        %sub3A_305 = arith.subi %get3A_294, %sub3A_304 : vector<16xi32>
        %sub3A_306 = arith.subi %sub3A_305, %add3A_302 : vector<16xi32>
        %eq3A_307 = arith.constant 0 : i32
        %eq3A_308 = vector.broadcast %eq3A_307 : i32 to vector<16xi32>
        %eq3A_309 = arith.cmpi eq, %sub3A_306, %eq3A_308 : vector<16xi32>
        %select_n3A_310 = arith.select %eq3A_309, %get3A_298, %broadcast_in_dim3A_4 : vector<16xi1>, vector<16xf32>
        tpu.vector_store_idx %arg10[%add3A_302], %select_n3A_310 : memref<25088xf32, #tpu.memory_space<vmem>>[vector<16xi32>], vector<16xf32>,
        %add3A_311 = arith.constant 1 : i32
        %add3A_312 = vector.broadcast %add3A_311 : i32 to vector<16xi32>
        %add3A_313 = arith.addi %add3A_302, %add3A_312 : vector<16xi32>
        %eq3A_314 = arith.constant 1 : i32
        %eq3A_315 = vector.broadcast %eq3A_314 : i32 to vector<16xi32>
        %eq3A_316 = arith.cmpi eq, %sub3A_306, %eq3A_315 : vector<16xi32>
        %select_n3A_317 = arith.select %eq3A_316, %get3A_298, %broadcast_in_dim3A_4 : vector<16xi1>, vector<16xf32>
        tpu.vector_store_idx %arg10[%add3A_313], %select_n3A_317 : memref<25088xf32, #tpu.memory_space<vmem>>[vector<16xi32>], vector<16xf32>,
        %add3A_318 = arith.constant 224 : i32
        %add3A_319 = vector.broadcast %add3A_318 : i32 to vector<16xi32>
        %add3A_320 = arith.addi %add3A_302, %add3A_319 : vector<16xi32>
        %eq3A_321 = arith.constant 224 : i32
        %eq3A_322 = vector.broadcast %eq3A_321 : i32 to vector<16xi32>
        %eq3A_323 = arith.cmpi eq, %sub3A_306, %eq3A_322 : vector<16xi32>
        %select_n3A_324 = arith.select %eq3A_323, %get3A_298, %broadcast_in_dim3A_4 : vector<16xi1>, vector<16xf32>
        tpu.vector_store_idx %arg10[%add3A_320], %select_n3A_324 : memref<25088xf32, #tpu.memory_space<vmem>>[vector<16xi32>], vector<16xf32>,
        %add3A_325 = arith.constant 225 : i32
        %add3A_326 = vector.broadcast %add3A_325 : i32 to vector<16xi32>
        %add3A_327 = arith.addi %add3A_302, %add3A_326 : vector<16xi32>
        %eq3A_328 = arith.constant 225 : i32
        %eq3A_329 = vector.broadcast %eq3A_328 : i32 to vector<16xi32>
        %eq3A_330 = arith.cmpi eq, %sub3A_306, %eq3A_329 : vector<16xi32>
        %select_n3A_331 = arith.select %eq3A_330, %get3A_298, %broadcast_in_dim3A_4 : vector<16xi1>, vector<16xf32>
        tpu.vector_store_idx %arg10[%add3A_327], %select_n3A_331 : memref<25088xf32, #tpu.memory_space<vmem>>[vector<16xi32>], vector<16xf32>,
        %add3A_332 = arith.constant 80 : i32
        %add3A_333 = arith.addi %mul3A_129, %add3A_332 : i32
        %get3A_334 = arith.index_cast %add3A_333 : i32 to index
        %get3A_335 = tpu.vector_load %arg8[%get3A_334] {strides = array<i32>} : memref<6272xi32, #tpu.memory_space<vmem>>, vector<16xi32>,
        %add3A_336 = arith.constant 80 : i32
        %add3A_337 = arith.addi %mul3A_129, %add3A_336 : i32
        %get3A_338 = arith.index_cast %add3A_337 : i32 to index
        %get3A_339 = tpu.vector_load %arg6[%get3A_338] {strides = array<i32>} : memref<6272xf32, #tpu.memory_space<vmem>>, vector<16xf32>,
        %add3A_340 = arith.constant 160 : i32
        %add3A_341 = arith.addi %mul3A_127, %add3A_340 : i32
        %add3A_342 = vector.broadcast %add3A_341 : i32 to vector<16xi32>
        %add3A_343 = arith.addi %mul3A_3, %add3A_342 : vector<16xi32>
        %sub3A_344 = arith.constant 25088 : i32
        %sub3A_345 = vector.broadcast %sub3A_344 : i32 to vector<16xi32>
        %sub3A_346 = arith.subi %get3A_335, %sub3A_345 : vector<16xi32>
        %sub3A_347 = arith.subi %sub3A_346, %add3A_343 : vector<16xi32>
        %eq3A_348 = arith.constant 0 : i32
        %eq3A_349 = vector.broadcast %eq3A_348 : i32 to vector<16xi32>
        %eq3A_350 = arith.cmpi eq, %sub3A_347, %eq3A_349 : vector<16xi32>
        %select_n3A_351 = arith.select %eq3A_350, %get3A_339, %broadcast_in_dim3A_4 : vector<16xi1>, vector<16xf32>
        tpu.vector_store_idx %arg10[%add3A_343], %select_n3A_351 : memref<25088xf32, #tpu.memory_space<vmem>>[vector<16xi32>], vector<16xf32>,
        %add3A_352 = arith.constant 1 : i32
        %add3A_353 = vector.broadcast %add3A_352 : i32 to vector<16xi32>
        %add3A_354 = arith.addi %add3A_343, %add3A_353 : vector<16xi32>
        %eq3A_355 = arith.constant 1 : i32
        %eq3A_356 = vector.broadcast %eq3A_355 : i32 to vector<16xi32>
        %eq3A_357 = arith.cmpi eq, %sub3A_347, %eq3A_356 : vector<16xi32>
        %select_n3A_358 = arith.select %eq3A_357, %get3A_339, %broadcast_in_dim3A_4 : vector<16xi1>, vector<16xf32>
        tpu.vector_store_idx %arg10[%add3A_354], %select_n3A_358 : memref<25088xf32, #tpu.memory_space<vmem>>[vector<16xi32>], vector<16xf32>,
        %add3A_359 = arith.constant 224 : i32
        %add3A_360 = vector.broadcast %add3A_359 : i32 to vector<16xi32>
        %add3A_361 = arith.addi %add3A_343, %add3A_360 : vector<16xi32>
        %eq3A_362 = arith.constant 224 : i32
        %eq3A_363 = vector.broadcast %eq3A_362 : i32 to vector<16xi32>
        %eq3A_364 = arith.cmpi eq, %sub3A_347, %eq3A_363 : vector<16xi32>
        %select_n3A_365 = arith.select %eq3A_364, %get3A_339, %broadcast_in_dim3A_4 : vector<16xi1>, vector<16xf32>
        tpu.vector_store_idx %arg10[%add3A_361], %select_n3A_365 : memref<25088xf32, #tpu.memory_space<vmem>>[vector<16xi32>], vector<16xf32>,
        %add3A_366 = arith.constant 225 : i32
        %add3A_367 = vector.broadcast %add3A_366 : i32 to vector<16xi32>
        %add3A_368 = arith.addi %add3A_343, %add3A_367 : vector<16xi32>
        %eq3A_369 = arith.constant 225 : i32
        %eq3A_370 = vector.broadcast %eq3A_369 : i32 to vector<16xi32>
        %eq3A_371 = arith.cmpi eq, %sub3A_347, %eq3A_370 : vector<16xi32>
        %select_n3A_372 = arith.select %eq3A_371, %get3A_339, %broadcast_in_dim3A_4 : vector<16xi1>, vector<16xf32>
        tpu.vector_store_idx %arg10[%add3A_368], %select_n3A_372 : memref<25088xf32, #tpu.memory_space<vmem>>[vector<16xi32>], vector<16xf32>,
        %add3A_373 = arith.constant 96 : i32
        %add3A_374 = arith.addi %mul3A_129, %add3A_373 : i32
        %get3A_375 = arith.index_cast %add3A_374 : i32 to index
        %get3A_376 = tpu.vector_load %arg8[%get3A_375] {strides = array<i32>} : memref<6272xi32, #tpu.memory_space<vmem>>, vector<16xi32>,
        %add3A_377 = arith.constant 96 : i32
        %add3A_378 = arith.addi %mul3A_129, %add3A_377 : i32
        %get3A_379 = arith.index_cast %add3A_378 : i32 to index
        %get3A_380 = tpu.vector_load %arg6[%get3A_379] {strides = array<i32>} : memref<6272xf32, #tpu.memory_space<vmem>>, vector<16xf32>,
        %add3A_381 = arith.constant 192 : i32
        %add3A_382 = arith.addi %mul3A_127, %add3A_381 : i32
        %add3A_383 = vector.broadcast %add3A_382 : i32 to vector<16xi32>
        %add3A_384 = arith.addi %mul3A_3, %add3A_383 : vector<16xi32>
        %sub3A_385 = arith.constant 25088 : i32
        %sub3A_386 = vector.broadcast %sub3A_385 : i32 to vector<16xi32>
        %sub3A_387 = arith.subi %get3A_376, %sub3A_386 : vector<16xi32>
        %sub3A_388 = arith.subi %sub3A_387, %add3A_384 : vector<16xi32>
        %eq3A_389 = arith.constant 0 : i32
        %eq3A_390 = vector.broadcast %eq3A_389 : i32 to vector<16xi32>
        %eq3A_391 = arith.cmpi eq, %sub3A_388, %eq3A_390 : vector<16xi32>
        %select_n3A_392 = arith.select %eq3A_391, %get3A_380, %broadcast_in_dim3A_4 : vector<16xi1>, vector<16xf32>
        tpu.vector_store_idx %arg10[%add3A_384], %select_n3A_392 : memref<25088xf32, #tpu.memory_space<vmem>>[vector<16xi32>], vector<16xf32>,
        %add3A_393 = arith.constant 1 : i32
        %add3A_394 = vector.broadcast %add3A_393 : i32 to vector<16xi32>
        %add3A_395 = arith.addi %add3A_384, %add3A_394 : vector<16xi32>
        %eq3A_396 = arith.constant 1 : i32
        %eq3A_397 = vector.broadcast %eq3A_396 : i32 to vector<16xi32>
        %eq3A_398 = arith.cmpi eq, %sub3A_388, %eq3A_397 : vector<16xi32>
        %select_n3A_399 = arith.select %eq3A_398, %get3A_380, %broadcast_in_dim3A_4 : vector<16xi1>, vector<16xf32>
        tpu.vector_store_idx %arg10[%add3A_395], %select_n3A_399 : memref<25088xf32, #tpu.memory_space<vmem>>[vector<16xi32>], vector<16xf32>,
        %add3A_400 = arith.constant 224 : i32
        %add3A_401 = vector.broadcast %add3A_400 : i32 to vector<16xi32>
        %add3A_402 = arith.addi %add3A_384, %add3A_401 : vector<16xi32>
        %eq3A_403 = arith.constant 224 : i32
        %eq3A_404 = vector.broadcast %eq3A_403 : i32 to vector<16xi32>
        %eq3A_405 = arith.cmpi eq, %sub3A_388, %eq3A_404 : vector<16xi32>
        %select_n3A_406 = arith.select %eq3A_405, %get3A_380, %broadcast_in_dim3A_4 : vector<16xi1>, vector<16xf32>
        tpu.vector_store_idx %arg10[%add3A_402], %select_n3A_406 : memref<25088xf32, #tpu.memory_space<vmem>>[vector<16xi32>], vector<16xf32>,
        %add3A_407 = arith.constant 225 : i32
        %add3A_408 = vector.broadcast %add3A_407 : i32 to vector<16xi32>
        %add3A_409 = arith.addi %add3A_384, %add3A_408 : vector<16xi32>
        %eq3A_410 = arith.constant 225 : i32
        %eq3A_411 = vector.broadcast %eq3A_410 : i32 to vector<16xi32>
        %eq3A_412 = arith.cmpi eq, %sub3A_388, %eq3A_411 : vector<16xi32>
        %select_n3A_413 = arith.select %eq3A_412, %get3A_380, %broadcast_in_dim3A_4 : vector<16xi1>, vector<16xf32>
        tpu.vector_store_idx %arg10[%add3A_409], %select_n3A_413 : memref<25088xf32, #tpu.memory_space<vmem>>[vector<16xi32>], vector<16xf32>,
      }
      %scan3A_118 = arith.constant 56 : i32
      %dma_start3A_119 = arith.constant 0 : i32
      %dma_start3A_120 = tpu.memref_slice %arg4[%add3A_91, %dma_start3A_119] : memref<3072x25088xf32, #tpu.memory_space<hbm>> -> memref<1x25088xf32, #tpu.memory_space<hbm>>
      %dma_start3A_121 = tpu.memref_squeeze %dma_start3A_120 : memref<1x25088xf32, #tpu.memory_space<hbm>> -> memref<25088xf32, #tpu.memory_space<hbm>>
      %dma_start3A_122 = arith.constant 0 : i32
      %dma_start3A_123 = tpu.memref_slice %arg4[%add3A_91, %dma_start3A_122] : memref<3072x25088xf32, #tpu.memory_space<hbm>> -> memref<1x25088xf32, #tpu.memory_space<hbm>>
      %dma_start3A_124 = tpu.memref_squeeze %dma_start3A_123 : memref<1x25088xf32, #tpu.memory_space<hbm>> -> memref<25088xf32, #tpu.memory_space<hbm>>
      tpu.enqueue_dma source(%arg10 : memref<25088xf32, #tpu.memory_space<vmem>>) target(%dma_start3A_124 : memref<25088xf32, #tpu.memory_space<hbm>>) target_semaphore(%arg16 : memref<!tpu.dma_semaphore, #tpu.memory_space<semaphore_mem>>)
    }
    %scan3A_22 = arith.constant 48 : i32
    %add3A_23 = arith.constant 96 : i32
    %add3A_24 = arith.addi %mul3A_6, %add3A_23 : i32
    %sub3A = arith.constant 2 : i32
    %sub3A_25 = arith.subi %add3A_24, %sub3A : i32
    %dma_wait3A = arith.constant 0 : i32
    %dma_wait3A_26 = tpu.memref_slice %arg4[%sub3A_25, %dma_wait3A] : memref<3072x25088xf32, #tpu.memory_space<hbm>> -> memref<1x25088xf32, #tpu.memory_space<hbm>>
    %dma_wait3A_27 = tpu.memref_squeeze %dma_wait3A_26 : memref<1x25088xf32, #tpu.memory_space<hbm>> -> memref<25088xf32, #tpu.memory_space<hbm>>
    %dma_wait3A_28 = arith.constant 0 : i32
    %dma_wait3A_29 = tpu.memref_slice %arg4[%sub3A_25, %dma_wait3A_28] : memref<3072x25088xf32, #tpu.memory_space<hbm>> -> memref<1x25088xf32, #tpu.memory_space<hbm>>
    %dma_wait3A_30 = tpu.memref_squeeze %dma_wait3A_29 : memref<1x25088xf32, #tpu.memory_space<hbm>> -> memref<25088xf32, #tpu.memory_space<hbm>>
    tpu.wait_dma2 semaphore(%arg15 : memref<!tpu.dma_semaphore, #tpu.memory_space<semaphore_mem>>) src(%arg9 : memref<25088xf32, #tpu.memory_space<vmem>>) dst(%dma_wait3A_30 : memref<25088xf32, #tpu.memory_space<hbm>>)
    %sub3A_31 = arith.constant 1 : i32
    %sub3A_32 = arith.subi %add3A_24, %sub3A_31 : i32
    %dma_wait3A_33 = arith.constant 0 : i32
    %dma_wait3A_34 = tpu.memref_slice %arg4[%sub3A_32, %dma_wait3A_33] : memref<3072x25088xf32, #tpu.memory_space<hbm>> -> memref<1x25088xf32, #tpu.memory_space<hbm>>
    %dma_wait3A_35 = tpu.memref_squeeze %dma_wait3A_34 : memref<1x25088xf32, #tpu.memory_space<hbm>> -> memref<25088xf32, #tpu.memory_space<hbm>>
    %dma_wait3A_36 = arith.constant 0 : i32
    %dma_wait3A_37 = tpu.memref_slice %arg4[%sub3A_32, %dma_wait3A_36] : memref<3072x25088xf32, #tpu.memory_space<hbm>> -> memref<1x25088xf32, #tpu.memory_space<hbm>>
    %dma_wait3A_38 = tpu.memref_squeeze %dma_wait3A_37 : memref<1x25088xf32, #tpu.memory_space<hbm>> -> memref<25088xf32, #tpu.memory_space<hbm>>
    tpu.wait_dma2 semaphore(%arg16 : memref<!tpu.dma_semaphore, #tpu.memory_space<semaphore_mem>>) src(%arg10 : memref<25088xf32, #tpu.memory_space<vmem>>) dst(%dma_wait3A_38 : memref<25088xf32, #tpu.memory_space<hbm>>)
    return
  }
}

</mosaic_0001>

<sc_bundles>
// kernel: kernel.3.cloned.1.call-start
scs
__scs_entry_jumppad:
0x0: {  	(pc) =	sbr.rel $0x88, $3  }
0x1: {  	(tag) =	ssettag $0x0;
	lr =	simm.s32 $0x1  }
0x2: {  	[smem:$0x3F9F] =	sst lr;
	_ =	strace $0xD0000000  }
0x3: {  	_ = 	snop  }
0x4: {  	_ = 	snop  }
0x5: {  	_ = 	snop  }
0x6: {  	_ = 	snop  }
0x7: {  	_ = 	snop  }
__scs_overlays_trampoline_lowered:
0x8: {  	[smem:$0x3FAE] =	sst s0  }
0x9: {  	[smem:$0x3FAF] =	sst s1  }
0xa: {  	[smem:$0x3FB0] =	sst s2  }
0xb: {  	[smem:$0x3FB1] =	sst s3  }
0xc: {  	[smem:$0x3FB2] =	sst s4  }
0xd: {  	[smem:$0x3FB3] =	sst s5  }
0xe: {  	[smem:$0x3FB4] =	sst s6  }
0xf: {  	[smem:$0x3FB5] =	sst s7  }
0x10: {  	[smem:$0x3FB6] =	sst s8  }
0x11: {  	[smem:$0x3FB7] =	sst s9;
	s0 =	simm.s32 @!p0 $0x0  }
0x12: {  	s1 =	sld [smem:$0x3F9D];
	s0 =	simm.s32 @p0 $0x1  }
0x13: {  	[smem:$0x3FB8] =	sst s0;
	s0 =	simm.s32 @!p1 $0x0  }
0x14: {  	s2 =	sld [smem:$0x3F9C];
	s0 =	simm.s32 @p1 $0x1  }
0x15: {  	[smem:$0x3FB9] =	sst s0;
	s0 =	simm.s32 @!p2 $0x0  }
0x16: {  	s3 =	sld [smem:$0x3FDB];
	s0 =	simm.s32 @p2 $0x1  }
0x17: {  	s4 =	simm.s32 $0x1BF5;
	[smem:$0x3FBB] =	sst s0  }
0x18: {  	s0 =	sld [smem:$0x3F9E];
	_ =	swait.ge [sflag:s4], $0x0  }
0x19: {  	s7 =	sld [smem:$0x3F9F]  }
0x1a: {  	s8 =	sadd.s32 $0xFFFFE003, lr  }
0x1b: {  	s9 =	sadd.s32 $0xFFFFFEF7, lr;
	s5 =	simm.s32 $0xFFFFFFFF;
	p2 =	slt.u32 s8, $0xFFFFF086  }
0x1c: {  	p1 =	slt.u32 s9, $0xF7A;
	s5 =	simm.s32 @!p2 $0x0  }
0x1d: {  	s5 =	simm.s32 @p1 $0x1;
	p0 =	seq.s32 s7, s2  }
0x1e: {  	s7 =	smul.u32 @!p0 $0xF7A, s2;
	p2 =	seq.s32 @!p0 s5, $0x0  }
0x1f: {  	s9 =	smul.u32 $0xF7A, s1;
	s8 =	simm.s32 @!p0 $0x1BF5;
	p2 =	por !p2, p0  }
0x20: {  	[sflag:s8] =	ssyncset.s32 @!p0 $0xFFFFF086;
	s6 =	sadd.s32 @!p0 s3, s7;
	s7 =	simm.s32 @!p0 $0x108  }
0x21: {  	s3 =	sadd.s32 s3, s9;
	s6 =	sadd.s32 @!p0 $0x88, s6;
	s7 =	simm.s32 @p2 $0x1082  }
0x22: {  	[simem:s7], [sflag:s8] =	dma.local @!p0 [hbm:s6], $0xF7A  }
0x23: {  	s9 =	sor.u32 $0xD0000000, s2;
	s6 =	simm.s32 $0x108;
	_ =	swait.ge @!p0 [sflag:s8], $0x0  }
0x24: {  	s3 =	sadd.s32 $0x88, s3;
	s6 =	simm.s32 @!p1 $0x1082;
	[sflag:s4] =	ssyncset.s32 $0xFFFFF086  }
0x25: {  	[simem:s6], [sflag:s4] =	dma.local [hbm:s3], $0xF7A  }
0x26: {  	[smem:$0x3F9F] =	sst s1;
	(tag) =	ssettag s2;
	_ =	strace s9  }
0x27: {  	s1 =	sld [smem:$0x3FAF]  }
0x28: {  	s2 =	sld [smem:$0x3FB0]  }
0x29: {  	s4 =	sld [smem:$0x3FB2]  }
0x2a: {  	p0 =	seq.s32 s5, $0x0;
	s5 =	sld [smem:$0x3FB3]  }
0x2b: {  	s6 =	sld [smem:$0x3FB4]  }
0x2c: {  	s7 =	sld [smem:$0x3FB5]  }
0x2d: {  	s3 =	simm.s32 $0x108;
	s8 =	sld [smem:$0x3FB6]  }
0x2e: {  	s3 =	simm.s32 @!p0 $0x1082;
	s9 =	sld [smem:$0x3FB7]  }
0x2f: {  	lr =	sadd.s32 s0, s3;
	s0 =	sld [smem:$0x3FAE]  }
0x30: {  	s3 =	sld [smem:$0x3FB1]  }
0x31: {  	[smem:$0x3FBA] =	sst s10  }
0x32: {  	s10 =	sld [smem:$0x3FB8];
	_ =	sdelay $0x3  }
0x33: {  	p0 =	seq.s32 s10, $0x1;
	s10 =	sld [smem:$0x3FBA];
	_ =	sdelay $0x3  }
0x34: {  	[smem:$0x3FBA] =	sst s10  }
0x35: {  	s10 =	sld [smem:$0x3FB9];
	_ =	sdelay $0x3  }
0x36: {  	p1 =	seq.s32 s10, $0x1;
	s10 =	sld [smem:$0x3FBA];
	_ =	sdelay $0x3  }
0x37: {  	[smem:$0x3FBA] =	sst s10  }
0x38: {  	s10 =	sld [smem:$0x3FBB]  }
0x39: {  	_ = 	snop;
	(pc) =	sbr.ind lr, $3  }
0x3a: {  	_ = 	snop  }
0x3b: {  	_ = 	snop  }
0x3c: {  	p2 =	seq.s32 s10, $0x1;
	s10 =	sld [smem:$0x3FBA]  }
0x3d: {  	_ =	shalt  }
0x3e: {  	_ =	shalt  }
0x3f: {  	_ =	shalt  }
0x40: {  	_ =	shalt  }
0x41: {  	_ =	shalt  }
0x42: {  	_ =	shalt  }
0x43: {  	_ =	shalt  }
0x44: {  	_ =	shalt  }
0x45: {  	_ =	shalt  }
0x46: {  	_ =	shalt  }
0x47: {  	_ =	shalt  }
0x48: {  	_ =	shalt  }
0x49: {  	_ =	shalt  }
0x4a: {  	_ =	shalt  }
0x4b: {  	_ =	shalt  }
0x4c: {  	_ =	shalt  }
0x4d: {  	_ =	shalt  }
0x4e: {  	_ =	shalt  }
0x4f: {  	_ =	shalt  }
0x50: {  	_ =	shalt  }
0x51: {  	_ =	shalt  }
0x52: {  	_ =	shalt  }
0x53: {  	_ =	shalt  }
0x54: {  	_ =	shalt  }
0x55: {  	_ =	shalt  }
0x56: {  	_ =	shalt  }
0x57: {  	_ =	shalt  }
0x58: {  	_ =	shalt  }
0x59: {  	_ =	shalt  }
0x5a: {  	_ =	shalt  }
0x5b: {  	_ =	shalt  }
0x5c: {  	_ =	shalt  }
0x5d: {  	_ =	shalt  }
0x5e: {  	_ =	shalt  }
0x5f: {  	_ =	shalt  }
0x60: {  	_ =	shalt  }
0x61: {  	_ =	shalt  }
0x62: {  	_ =	shalt  }
0x63: {  	_ =	shalt  }
0x64: {  	_ =	shalt  }
0x65: {  	_ =	shalt  }
0x66: {  	_ =	shalt  }
0x67: {  	_ =	shalt  }
0x68: {  	_ =	shalt  }
0x69: {  	_ =	shalt  }
0x6a: {  	_ =	shalt  }
0x6b: {  	_ =	shalt  }
0x6c: {  	_ =	shalt  }
0x6d: {  	_ =	shalt  }
0x6e: {  	_ =	shalt  }
0x6f: {  	_ =	shalt  }
0x70: {  	_ =	shalt  }
0x71: {  	_ =	shalt  }
0x72: {  	_ =	shalt  }
0x73: {  	_ =	shalt  }
0x74: {  	_ =	shalt  }
0x75: {  	_ =	shalt  }
0x76: {  	_ =	shalt  }
0x77: {  	_ =	shalt  }
0x78: {  	_ =	shalt  }
0x79: {  	_ =	shalt  }
0x7a: {  	_ =	shalt  }
0x7b: {  	_ =	shalt  }
0x7c: {  	_ =	shalt  }
0x7d: {  	_ =	shalt  }
0x7e: {  	_ =	shalt  }
0x7f: {  	_ =	shalt  }
0x80: {  	_ =	shalt  }
0x81: {  	_ =	shalt  }
0x82: {  	_ =	shalt  }
0x83: {  	_ =	shalt  }
0x84: {  	_ =	shalt  }
0x85: {  	_ =	shalt  }
0x86: {  	_ =	shalt  }
0x87: {  	_ =	shalt  }
.Lfunc_end0:
.L_simem_size_0:
called_computation_lowered:
.L_overlay_start_0:
0x88: {  	s2 =	sld [smem:$0x3FD9]  }
0x89: {  	s3 =	sld [smem:$0x3FFE];
	_ =	sdelay $0x1  }
0x8a: {  	s1 =	srdreg.scid  }
0x8b: {  	s0 =	sand.u32 $0x1, s1  }
0x8c: {  	s17 =	sshll.u32 s0, $0xA;
	s2 =	sadd.s32 s3, s2  }
0x8d: {  	s2 =	sadd.s32 s2, s17  }
0x8e: {  	[smem:$0x3FC6] =	sst s2  }
0x8f: {  	_ = 	snop  }
0x90: {  	s2 =	sld [smem:$0x3FD0];
	(tm) =	ssettm $0x1  }
0x91: {  	s18 =	sld [smem:$0x3FFB];
	_ =	sdelay $0x3  }
0x92: {  	_ =	strace s18  }
0x93: {  	s3 =	sld [smem:$0x3FFC];
	_ =	sdelay $0x3  }
0x94: {  	_ =	strace s3  }
0x95: {  	s3 =	sld [smem:$0x3FFD];
	_ =	sdelay $0x3  }
0x96: {  	_ =	strace s3  }
0x97: {  	_ =	strace $0x8FFFFFFF  }
0x98: {  	s19 =	sld [smem:$0x3FDB];
	_ =	sdelay $0x1  }
0x99: {  	s4 =	simm.s32 $_scs_section_size  }
0x9a: {  	s5 =	simm.s32 $_size__tile_overlayer_lowered;
	s6 =	simm.s32 $_tile_overlayer_lowered  }
0x9b: {  	s22 =	simm.s32 $0x1BFF;
	s21 =	sshll.u32 s6, $0x1;
	s3 =	sadd.s32 s4, s19  }
0x9c: {  	s7 =	simm.s32 $0x0;
	s20 =	sshll.u32 s5, $0x1;
	s5 =	sadd.s32 s21, s3  }
0x9d: {  	[timem:s7], [sflag:s22] =	dma.local [hbm:s5], s20  }
0x9e: {  	_ =	swait.ge [sflag:s22], s20  }
0x9f: {  	s4 =	ssub.s32 $0x0, s20;
	[sflag:s22] =	ssyncset.done $0x0  }
0xa0: {  	[sflag:s22] =	ssyncadd.s32 s4;
	_ =	sdelay $0x1  }
0xa1: {  	s23 =	simm.s32 $0x1B8B  }
0xa2: {  	_ =	swait.ge [sflag:s23], $0x1  }
0xa3: {  	[sflag:s23] =	ssyncset.done $0x0  }
0xa4: {  	s25 =	simm.s32 $0x1B8E;
	s24 =	sld [smem:$0x3FFE];
	[sflag:s23] =	ssyncadd.s32 $0xFFFFFFFF  }
0xa5: {  	s26 =	simm.s32 $execute0_lowered;
	[smem:$0x3FD2] =	sst s25  }
0xa6: {  	s5 =	sshll.u32 s26, $0x1;
	_ =	strace $0x80000046;
	[dreg:$0x1] =	wrdreg $0xFFFFFFFF  }
0xa7: {  	s28 =	simm.s32 $_size_execute0_lowered;
	s3 =	sadd.s32 s3, s5;
	[dreg:$0x0] =	wrdreg $0x0  }
0xa8: {  	s5 =	sshll.u32 s28, $0x1;
	[dreg:$0x2] =	wrdreg s3  }
0xa9: {  	[dreg:$0x3] =	wrdreg s5  }
0xaa: {  	[dreg:$0x4] =	wrdreg $0xC0  }
0xab: {  	_ =	task [dreg:s7], $0x5FFFF  }
0xac: {  	[dreg:$0x1] =	wrdreg $0xFFFFFFFF  }
0xad: {  	[dreg:$0x0] =	wrdreg $0x60  }
0xae: {  	[dreg:$0x2] =	wrdreg s2  }
0xaf: {  	[dreg:$0x3] =	wrdreg s24  }
0xb0: {  	[dreg:$0x4] =	wrdreg $0x9  }
0xb1: {  	_ =	task.clear_ibuf [dreg:s7], $0x5FFFF;
	_ =	strace $0x90000046  }
0xb2: {  	s29 =	simm.s32 $0x9;
	_ =	strace $0x80000048  }
0xb3: {  	_ =	swait.ge [sflag:s29], $0x1  }
0xb4: {  	[sflag:s29] =	ssyncadd.s32 $0xFFFFFFFF  }
0xb5: {  	_ =	strace $0x90000048  }
0xb6: {  	_ =	sfence  }
0xb7: {  	s30 =	sld [smem:$0x0];
	_ =	sdelay $0x2  }
0xb8: {  	s31 =	sshll.u32 s1, $0xD;
	s1 =	sshrl.u32 s1, $0x2  }
0xb9: {  	s3 =	sand.u32 $0x4000, s31;
	s1 =	sadd.s32 s1, s30  }
0xba: {  	s0 =	sor.u32 s3, s0;
	s1 =	sshll.u32 s1, $0x11  }
0xbb: {  	s0 =	sor.u32 s1, s0  }
0xbc: {  	s0 =	sadd.s32 $0x8F2B, s0  }
0xbd: {  	[sflag:s0] =	ssyncadd.remote.s32 $0x1  }
0xbe: {  	_ =	sfence.sel $0xFFFF  }
0xbf: {  	[dreg:$0x0] =	wrdreg $0xFFFFFFFF;
	(pc) =	sbr.abs _section_cstart, $3  }
0xc0: {  	[dreg:$0x1] =	wrdreg $0xFFFFFFFF  }
0xc1: {  	_ =	task.clear_ibuf [dreg:s7], $0x2FFFF;
	_ =	strace $0x9FFFFFFF  }
0xc2: {  	(tm) =	ssettm $0x7FFFFFFF  }
0xc3: {  	_ =	shalt  }
tec
execute0_lowered:
.L_overlay_start_1:
0x0: {  	(tag) =	ssettag $0x1  }
0x1: {  	s0 =	srdreg.scid;
	s2 =	rddreg [dreg:$0x0]  }
0x2: {  	s1 =	stileid.u32;
	s6 =	rddreg [dreg:$0x1]  }
0x3: {  	s4 =	simm.s32 $0x0;
	s10 =	simm.s32 $0x80;
	s11 =	simm.s32 $0x400  }
0x4: {  	s13 =	simm.s32 $0x1;
	s14 =	simm.s32 $0x3;
	s15 =	simm.s32 $0x1880  }
0x5: {  	s16 =	simm.s32 $0x4980;
	s0 =	sand.u32 $0x1, s0;
	s1 =	sshll.u32 s1, $0x1  }
0x6: {  	s17 =	simm.s32 $0x6200;
	s18 =	simm.s32 $0x2;
	s1 =	sor.u32 s0, s1  }
0x7: {  	s19 =	simm.s32 $0x4;
	s20 =	simm.s32 $0xC400;
	s3 =	smul.u32 $0x60, s1  }
0x8: {  	s21 =	simm.s32 $0x5;
	s22 =	simm.s32 $0x6;
	s23 =	simm.s32 $0x0  }
0x9: {  	v0 =	vlaneseq.u32;
	[smem:$0x7FF] =	sst s4;
	s0 =	ssub.s32 $0x2, s0;
	s1 =	sshrl.u32 s3, $0x3  }
0xa: {  	s5 =	sadd.s32 $0x400, s6;
	v0 =	vmul.u32 $0x2, v0;
	s7 =	sshrl.u32 s0, $0x1;
	s1 =	smul.u32 $0x1880, s1  }
0xb: {  	s6 =	sadd.s32 $0x24C400, s6;
	_ =	strace $0x80000047;
	s0 =	ssub.s32 s0, s7  }
0xc: {  	v1 =	vor.u32 $0x1, v0;
	v2 =	vor.u32 $0xE0, v0;
	v3 =	vor.u32 $0xE1, v0;
	s9 =	smax.u32 s0, $0x1;
	s7 =	sadd.s32 s2, s1;
	s8 =	sadd.s32 s5, s1  }
.LBB2_1:
0xd: {  	[tilespmem:s4], [sflag:$0x1] =	stream.strided.gather [hbm4b:s7+s10], $0x1880, s11, s10, $0x38;
	[tilespmem:$0x12600] =	vst v63  }
0xe: {  	s0 =	simm.s32 $0x3100;
	s24 =	simm.s32 $0x0  }
0xf: {  	[tilespmem:s0], [sflag:$0x3] =	stream.strided.gather [hbm4b:s8+s10], $0x1880, s11, s10, $0x38;
	[tilespmem:$0x12600] =	vst v63  }
.LBB2_2:
0x10: {  	s0 =	sshll.u32 s24, $0x1  }
0x11: {  	s28 =	sadd.s32 s3, s0  }
0x12: {  	s25 =	sshll.u32 s24, $0x8;
	_ =	swait.ge [sflag:s13], $0x1880;
	s26 =	sshrl.u32 s28, $0x3  }
0x13: {  	s29 =	sand.u32 $0x300, s25;
	[sflag:s13] =	ssyncset.done $0x0;
	s1 =	smul.u32 $0xC400, s26  }
0x14: {  	[sflag:s13] =	ssyncadd.s32 $0xFFFFE780;
	s25 =	sor.u32 $0x80, s29  }
0x15: {  	_ =	swait.ge [sflag:s14], $0x1880;
	s0 =	sor.u32 s25, s1  }
0x16: {  	[sflag:s14] =	ssyncset.done $0x0;
	s0 =	sshrl.u32 s0, $0x3  }
0x17: {  	[sflag:s14] =	ssyncadd.s32 $0xFFFFE780;
	s1 =	sadd.s32 s2, s0  }
0x18: {  	[tilespmem:s15], [sflag:$0x2] =	stream.strided.gather [hbm4b:s1+s10], $0x1880, s11, s10, $0x38;
	[tilespmem:$0x12600] =	vst v63  }
0x19: {  	p0 =	seq.s32 s24, $0x0;
	s0 =	sadd.s32 s5, s0  }
0x1a: {  	[tilespmem:s16], [sflag:$0x4] =	stream.strided.gather [hbm4b:s0+s10], $0x1880, s11, s10, $0x38;
	[tilespmem:$0x12600] =	vst v63  }
0x1b: {  	s0 =	simm.s32 @!p0 $0x5  }
0x1c: {  	_ =	swait.ge @!p0 [sflag:s0], $0x6200  }
0x1d: {  	[sflag:s0] =	ssyncset.done @!p0 $0x0  }
0x1e: {  	[sflag:s0] =	ssyncadd.s32 @!p0 $0xFFFF9E00;
	s0 =	simm.s32 $0x0  }
0x1f: {  	v4 =	vld [tilespmem:s0+$0x3100]  }
0x20: {  	s12 =	simm.s32 $0x0;
	v5 =	vld [tilespmem:s0+$0x0]  }
0x21: {  	v6 =	vor.u32 s12, v0  }
0x22: {  	v7 =	vor.u32 s12, v1  }
0x23: {  	v8 =	vadd.s32 s12, v2  }
0x24: {  	v9 =	vsub.s32 v4, v6;
	vm0 =	veq.s32 v4, v6;
	v4 =	vadd.s32 s12, v3  }
0x25: {  	v10 =	vnsel vm0, $0x0, v5;
	vm14 =	veq.s32 v9, $0x1  }
0x26: {  	vm1 =	veq.s32 v9, $0xE0;
	[tilespmem:v6+s17+$0x0] =	vst.idx.msk $0xffff, v10;
	v6 =	vnsel vm14, $0x0, v5  }
0x27: {  	vm15 =	veq.s32 v9, $0xE1;
	v41 =	vnsel vm1, $0x0, v5;
	[tilespmem:v7+s17+$0x0] =	vst.idx.msk $0xffff, v6  }
0x28: {  	v5 =	vnsel vm15, $0x0, v5;
	[tilespmem:v8+s17+$0x0] =	vst.idx.msk $0xffff, v41  }
0x29: {  	[tilespmem:v4+s17+$0x0] =	vst.idx.msk $0xffff, v5  }
0x2a: {  	v4 =	vld [tilespmem:s0+$0x3110]  }
0x2b: {  	s12 =	simm.s32 $0x20;
	v5 =	vld [tilespmem:s0+$0x10]  }
0x2c: {  	v6 =	vor.u32 s12, v0  }
0x2d: {  	v7 =	vor.u32 s12, v1  }
0x2e: {  	v42 =	vadd.s32 s12, v2  }
0x2f: {  	v43 =	vsub.s32 v4, v6;
	vm4 =	veq.s32 v4, v6;
	v4 =	vadd.s32 s12, v3  }
0x30: {  	v44 =	vnsel vm4, $0x0, v5;
	vm5 =	veq.s32 v43, $0x1  }
0x31: {  	vm6 =	veq.s32 v43, $0xE0;
	[tilespmem:v6+s17+$0x0] =	vst.idx.msk $0xffff, v44;
	v6 =	vnsel vm5, $0x0, v5  }
0x32: {  	vm7 =	veq.s32 v43, $0xE1;
	v45 =	vnsel vm6, $0x0, v5;
	[tilespmem:v7+s17+$0x0] =	vst.idx.msk $0xffff, v6  }
0x33: {  	v5 =	vnsel vm7, $0x0, v5;
	[tilespmem:v42+s17+$0x0] =	vst.idx.msk $0xffff, v45  }
0x34: {  	[tilespmem:v4+s17+$0x0] =	vst.idx.msk $0xffff, v5  }
0x35: {  	v4 =	vld [tilespmem:s0+$0x3120]  }
0x36: {  	s12 =	simm.s32 $0x40;
	v5 =	vld [tilespmem:s0+$0x20]  }
0x37: {  	v6 =	vor.u32 s12, v0  }
0x38: {  	v7 =	vor.u32 s12, v1  }
0x39: {  	v46 =	vadd.s32 s12, v2  }
0x3a: {  	v47 =	vsub.s32 v4, v6;
	vm8 =	veq.s32 v4, v6;
	v4 =	vadd.s32 s12, v3  }
0x3b: {  	v48 =	vnsel vm8, $0x0, v5;
	vm9 =	veq.s32 v47, $0x1  }
0x3c: {  	vm10 =	veq.s32 v47, $0xE0;
	[tilespmem:v6+s17+$0x0] =	vst.idx.msk $0xffff, v48;
	v6 =	vnsel vm9, $0x0, v5  }
0x3d: {  	vm11 =	veq.s32 v47, $0xE1;
	v49 =	vnsel vm10, $0x0, v5;
	[tilespmem:v7+s17+$0x0] =	vst.idx.msk $0xffff, v6  }
0x3e: {  	v5 =	vnsel vm11, $0x0, v5;
	[tilespmem:v46+s17+$0x0] =	vst.idx.msk $0xffff, v49  }
0x3f: {  	[tilespmem:v4+s17+$0x0] =	vst.idx.msk $0xffff, v5  }
0x40: {  	v4 =	vld [tilespmem:s0+$0x3130]  }
0x41: {  	s12 =	simm.s32 $0x60;
	v5 =	vld [tilespmem:s0+$0x30]  }
0x42: {  	v6 =	vor.u32 s12, v0  }
0x43: {  	v7 =	vor.u32 s12, v1  }
0x44: {  	v50 =	vadd.s32 s12, v2  }
0x45: {  	v51 =	vsub.s32 v4, v6;
	vm12 =	veq.s32 v4, v6;
	v4 =	vadd.s32 s12, v3  }
0x46: {  	v52 =	vnsel vm12, $0x0, v5;
	vm13 =	veq.s32 v51, $0x1  }
0x47: {  	vm14 =	veq.s32 v51, $0xE0;
	[tilespmem:v6+s17+$0x0] =	vst.idx.msk $0xffff, v52;
	v6 =	vnsel vm13, $0x0, v5  }
0x48: {  	vm15 =	veq.s32 v51, $0xE1;
	v53 =	vnsel vm14, $0x0, v5;
	[tilespmem:v7+s17+$0x0] =	vst.idx.msk $0xffff, v6  }
0x49: {  	v5 =	vnsel vm15, $0x0, v5;
	[tilespmem:v50+s17+$0x0] =	vst.idx.msk $0xffff, v53  }
0x4a: {  	[tilespmem:v4+s17+$0x0] =	vst.idx.msk $0xffff, v5  }
0x4b: {  	v4 =	vld [tilespmem:s0+$0x3140]  }
0x4c: {  	s12 =	simm.s32 $0x80;
	v5 =	vld [tilespmem:s0+$0x40]  }
0x4d: {  	v6 =	vor.u32 s12, v0  }
0x4e: {  	v7 =	vor.u32 s12, v1  }
0x4f: {  	v54 =	vadd.s32 s12, v2  }
0x50: {  	v55 =	vsub.s32 v4, v6;
	vm4 =	veq.s32 v4, v6;
	v4 =	vadd.s32 s12, v3  }
0x51: {  	v56 =	vnsel vm4, $0x0, v5;
	vm5 =	veq.s32 v55, $0x1  }
0x52: {  	vm6 =	veq.s32 v55, $0xE0;
	[tilespmem:v6+s17+$0x0] =	vst.idx.msk $0xffff, v56;
	v6 =	vnsel vm5, $0x0, v5  }
0x53: {  	vm7 =	veq.s32 v55, $0xE1;
	v57 =	vnsel vm6, $0x0, v5;
	[tilespmem:v7+s17+$0x0] =	vst.idx.msk $0xffff, v6  }
0x54: {  	v5 =	vnsel vm7, $0x0, v5;
	[tilespmem:v54+s17+$0x0] =	vst.idx.msk $0xffff, v57  }
0x55: {  	[tilespmem:v4+s17+$0x0] =	vst.idx.msk $0xffff, v5  }
0x56: {  	v4 =	vld [tilespmem:s0+$0x3150]  }
0x57: {  	s12 =	simm.s32 $0xA0;
	v5 =	vld [tilespmem:s0+$0x50]  }
0x58: {  	v6 =	vor.u32 s12, v0  }
0x59: {  	v7 =	vor.u32 s12, v1  }
0x5a: {  	v58 =	vadd.s32 s12, v2  }
0x5b: {  	v59 =	vsub.s32 v4, v6;
	vm8 =	veq.s32 v4, v6;
	v4 =	vadd.s32 s12, v3  }
0x5c: {  	v60 =	vnsel vm8, $0x0, v5;
	vm9 =	veq.s32 v59, $0x1  }
0x5d: {  	vm10 =	veq.s32 v59, $0xE0;
	[tilespmem:v6+s17+$0x0] =	vst.idx.msk $0xffff, v60;
	v6 =	vnsel vm9, $0x0, v5  }
0x5e: {  	vm11 =	veq.s32 v59, $0xE1;
	v61 =	vnsel vm10, $0x0, v5;
	[tilespmem:v7+s17+$0x0] =	vst.idx.msk $0xffff, v6  }
0x5f: {  	v5 =	vnsel vm11, $0x0, v5;
	[tilespmem:v58+s17+$0x0] =	vst.idx.msk $0xffff, v61  }
0x60: {  	[tilespmem:v4+s17+$0x0] =	vst.idx.msk $0xffff, v5  }
0x61: {  	v4 =	vld [tilespmem:s0+$0x3160]  }
0x62: {  	s12 =	simm.s32 $0xC0;
	v5 =	vld [tilespmem:s0+$0x60]  }
0x63: {  	v6 =	vor.u32 s12, v0  }
0x64: {  	v7 =	vor.u32 s12, v1;
	_ =	sdelay $0x1  }
0x65: {  	v63 =	vsub.s32 v4, v6;
	vm12 =	veq.s32 v4, v6  }
0x66: {  	v62 =	vadd.s32 s12, v2;
	v4 =	vnsel vm12, $0x0, v5;
	vm13 =	veq.s32 v63, $0x1  }
0x67: {  	[tilespmem:v6+s17+$0x0] =	vst.idx.msk $0xffff, v4;
	v4 =	vnsel vm13, $0x0, v5  }
0x68: {  	[tilespmem:v7+s17+$0x0] =	vst.idx.msk $0xffff, v4;
	v4 =	vadd.s32 s12, v3  }
0x69: {  	vm14 =	veq.s32 v63, $0xE0  }
0x6a: {  	vm15 =	veq.s32 v63, $0xE1;
	v6 =	vnsel vm14, $0x0, v5  }
0x6b: {  	s30 =	simm.s32 $0x1C0;
	s31 =	simm.s32 $0x380;
	v5 =	vnsel vm15, $0x0, v5;
	[tilespmem:v62+s17+$0x0] =	vst.idx.msk $0xffff, v6  }
.LBB2_3:
0x6c: {  	p0 =	sne.s32 s31, $0x6040  }
0x6d: {  	s0 =	sshra.s32 s30, $0x2;
	[tilespmem:v4+s17+$0x0] =	vst.idx.msk $0xffff, v5;
	s1 =	smov.u32 s31;
	s31 =	sadd.s32 $0x1C0, s31  }
0x6e: {  	v4 =	vld [tilespmem:s0+$0x3100]  }
0x6f: {  	v5 =	vld [tilespmem:s0+$0x0]  }
0x70: {  	v6 =	vor.u32 s30, v0  }
0x71: {  	v7 =	vor.u32 s30, v1  }
0x72: {  	v8 =	vadd.s32 s30, v2  }
0x73: {  	v9 =	vsub.s32 v4, v6;
	vm0 =	veq.s32 v4, v6;
	v4 =	vadd.s32 s30, v3  }
0x74: {  	v10 =	vnsel vm0, $0x0, v5;
	vm0 =	veq.s32 v9, $0x1;
	vm1 =	veq.s32 v9, $0xE0  }
0x75: {  	[tilespmem:v6+s17+$0x0] =	vst.idx.msk $0xffff, v10;
	v6 =	vnsel vm0, $0x0, v5;
	v10 =	vnsel vm1, $0x0, v5;
	vm0 =	veq.s32 v9, $0xE1  }
0x76: {  	[tilespmem:v7+s17+$0x0] =	vst.idx.msk $0xffff, v6;
	v5 =	vnsel vm0, $0x0, v5  }
0x77: {  	[tilespmem:v8+s17+$0x0] =	vst.idx.msk $0xffff, v10  }
0x78: {  	[tilespmem:v4+s17+$0x0] =	vst.idx.msk $0xffff, v5  }
0x79: {  	v4 =	vld [tilespmem:s0+$0x3110]  }
0x7a: {  	s12 =	sadd.s32 $0x20, s30;
	v5 =	vld [tilespmem:s0+$0x10]  }
0x7b: {  	v6 =	vor.u32 s12, v0  }
0x7c: {  	v7 =	vor.u32 s12, v1  }
0x7d: {  	v8 =	vadd.s32 s12, v2  }
0x7e: {  	v9 =	vsub.s32 v4, v6;
	vm0 =	veq.s32 v4, v6;
	v4 =	vadd.s32 s12, v3  }
0x7f: {  	v10 =	vnsel vm0, $0x0, v5;
	vm0 =	veq.s32 v9, $0x1;
	vm1 =	veq.s32 v9, $0xE0  }
0x80: {  	[tilespmem:v6+s17+$0x0] =	vst.idx.msk $0xffff, v10;
	v6 =	vnsel vm0, $0x0, v5;
	v10 =	vnsel vm1, $0x0, v5;
	vm0 =	veq.s32 v9, $0xE1  }
0x81: {  	[tilespmem:v7+s17+$0x0] =	vst.idx.msk $0xffff, v6;
	v5 =	vnsel vm0, $0x0, v5  }
0x82: {  	[tilespmem:v8+s17+$0x0] =	vst.idx.msk $0xffff, v10  }
0x83: {  	[tilespmem:v4+s17+$0x0] =	vst.idx.msk $0xffff, v5  }
0x84: {  	v4 =	vld [tilespmem:s0+$0x3120]  }
0x85: {  	s12 =	sadd.s32 $0x40, s30;
	v5 =	vld [tilespmem:s0+$0x20]  }
0x86: {  	v6 =	vor.u32 s12, v0  }
0x87: {  	v7 =	vor.u32 s12, v1  }
0x88: {  	v8 =	vadd.s32 s12, v2  }
0x89: {  	v9 =	vsub.s32 v4, v6;
	vm0 =	veq.s32 v4, v6;
	v4 =	vadd.s32 s12, v3  }
0x8a: {  	v10 =	vnsel vm0, $0x0, v5;
	vm0 =	veq.s32 v9, $0x1;
	vm1 =	veq.s32 v9, $0xE0  }
0x8b: {  	[tilespmem:v6+s17+$0x0] =	vst.idx.msk $0xffff, v10;
	v6 =	vnsel vm0, $0x0, v5;
	v10 =	vnsel vm1, $0x0, v5;
	vm0 =	veq.s32 v9, $0xE1  }
0x8c: {  	[tilespmem:v7+s17+$0x0] =	vst.idx.msk $0xffff, v6;
	v5 =	vnsel vm0, $0x0, v5  }
0x8d: {  	[tilespmem:v8+s17+$0x0] =	vst.idx.msk $0xffff, v10  }
0x8e: {  	[tilespmem:v4+s17+$0x0] =	vst.idx.msk $0xffff, v5  }
0x8f: {  	v4 =	vld [tilespmem:s0+$0x3130]  }
0x90: {  	s12 =	sadd.s32 $0x60, s30;
	v5 =	vld [tilespmem:s0+$0x30]  }
0x91: {  	v6 =	vor.u32 s12, v0  }
0x92: {  	v7 =	vor.u32 s12, v1  }
0x93: {  	v8 =	vadd.s32 s12, v2  }
0x94: {  	v9 =	vsub.s32 v4, v6;
	vm0 =	veq.s32 v4, v6;
	v4 =	vadd.s32 s12, v3  }
0x95: {  	v10 =	vnsel vm0, $0x0, v5;
	vm0 =	veq.s32 v9, $0x1;
	vm1 =	veq.s32 v9, $0xE0  }
0x96: {  	[tilespmem:v6+s17+$0x0] =	vst.idx.msk $0xffff, v10;
	v6 =	vnsel vm0, $0x0, v5;
	v10 =	vnsel vm1, $0x0, v5;
	vm0 =	veq.s32 v9, $0xE1  }
0x97: {  	[tilespmem:v7+s17+$0x0] =	vst.idx.msk $0xffff, v6;
	v5 =	vnsel vm0, $0x0, v5  }
0x98: {  	[tilespmem:v8+s17+$0x0] =	vst.idx.msk $0xffff, v10  }
0x99: {  	[tilespmem:v4+s17+$0x0] =	vst.idx.msk $0xffff, v5  }
0x9a: {  	v4 =	vld [tilespmem:s0+$0x3140]  }
0x9b: {  	s12 =	sadd.s32 $0x80, s30;
	v5 =	vld [tilespmem:s0+$0x40]  }
0x9c: {  	v6 =	vor.u32 s12, v0  }
0x9d: {  	v7 =	vor.u32 s12, v1  }
0x9e: {  	v8 =	vadd.s32 s12, v2  }
0x9f: {  	v9 =	vsub.s32 v4, v6;
	vm0 =	veq.s32 v4, v6;
	v4 =	vadd.s32 s12, v3  }
0xa0: {  	v10 =	vnsel vm0, $0x0, v5;
	vm0 =	veq.s32 v9, $0x1;
	vm1 =	veq.s32 v9, $0xE0  }
0xa1: {  	[tilespmem:v6+s17+$0x0] =	vst.idx.msk $0xffff, v10;
	v6 =	vnsel vm0, $0x0, v5;
	v10 =	vnsel vm1, $0x0, v5;
	vm0 =	veq.s32 v9, $0xE1  }
0xa2: {  	[tilespmem:v7+s17+$0x0] =	vst.idx.msk $0xffff, v6;
	v5 =	vnsel vm0, $0x0, v5  }
0xa3: {  	[tilespmem:v8+s17+$0x0] =	vst.idx.msk $0xffff, v10  }
0xa4: {  	[tilespmem:v4+s17+$0x0] =	vst.idx.msk $0xffff, v5  }
0xa5: {  	v4 =	vld [tilespmem:s0+$0x3150]  }
0xa6: {  	s12 =	sadd.s32 $0xA0, s30;
	v5 =	vld [tilespmem:s0+$0x50]  }
0xa7: {  	v6 =	vor.u32 s12, v0  }
0xa8: {  	v7 =	vor.u32 s12, v1  }
0xa9: {  	v8 =	vadd.s32 s12, v2  }
0xaa: {  	v9 =	vsub.s32 v4, v6;
	vm0 =	veq.s32 v4, v6;
	v4 =	vadd.s32 s12, v3  }
0xab: {  	v10 =	vnsel vm0, $0x0, v5;
	vm0 =	veq.s32 v9, $0x1;
	vm1 =	veq.s32 v9, $0xE0  }
0xac: {  	[tilespmem:v6+s17+$0x0] =	vst.idx.msk $0xffff, v10;
	v6 =	vnsel vm0, $0x0, v5;
	v10 =	vnsel vm1, $0x0, v5;
	vm0 =	veq.s32 v9, $0xE1  }
0xad: {  	[tilespmem:v7+s17+$0x0] =	vst.idx.msk $0xffff, v6;
	v5 =	vnsel vm0, $0x0, v5  }
0xae: {  	[tilespmem:v8+s17+$0x0] =	vst.idx.msk $0xffff, v10  }
0xaf: {  	[tilespmem:v4+s17+$0x0] =	vst.idx.msk $0xffff, v5  }
0xb0: {  	v4 =	vld [tilespmem:s0+$0x3160]  }
0xb1: {  	v5 =	vld [tilespmem:s0+$0x60];
	s0 =	sadd.s32 $0xC0, s30;
	s30 =	smov.u32 s1  }
0xb2: {  	v6 =	vor.u32 s0, v0  }
0xb3: {  	v7 =	vor.u32 s0, v1  }
0xb4: {  	v8 =	vadd.s32 s0, v2  }
.Ltmp0:
0xb5: {  	v9 =	vsub.s32 v4, v6;
	vm0 =	veq.s32 v4, v6;
	v4 =	vadd.s32 s0, v3;
	(pc) =	sbr.rel @p0 .LBB2_3-.Ltmp0, $4  }
0xb6: {  	v10 =	vnsel vm0, $0x0, v5;
	vm0 =	veq.s32 v9, $0x1;
	vm1 =	veq.s32 v9, $0xE0  }
0xb7: {  	[tilespmem:v6+s17+$0x0] =	vst.idx.msk $0xffff, v10;
	v6 =	vnsel vm0, $0x0, v5;
	v10 =	vnsel vm1, $0x0, v5;
	vm0 =	veq.s32 v9, $0xE1  }
0xb8: {  	[tilespmem:v7+s17+$0x0] =	vst.idx.msk $0xffff, v6;
	v5 =	vnsel vm0, $0x0, v5  }
0xb9: {  	[tilespmem:v8+s17+$0x0] =	vst.idx.msk $0xffff, v10  }
0xba: {  	_ =	sdelay $0x3  }
0xbb: {  	s0 =	sshra.s32 s30, $0x2;
	[tilespmem:v4+s17+$0x0] =	vst.idx.msk $0xffff, v5  }
0xbc: {  	v4 =	vld [tilespmem:s0+$0x3100]  }
0xbd: {  	v5 =	vld [tilespmem:s0+$0x0]  }
0xbe: {  	v6 =	vor.u32 s30, v0  }
0xbf: {  	v7 =	vor.u32 s30, v1  }
0xc0: {  	v8 =	vadd.s32 s30, v2  }
0xc1: {  	v9 =	vsub.s32 v4, v6;
	vm0 =	veq.s32 v4, v6;
	v4 =	vadd.s32 s30, v3  }
0xc2: {  	v10 =	vnsel vm0, $0x0, v5;
	vm10 =	veq.s32 v9, $0x1  }
0xc3: {  	vm1 =	veq.s32 v9, $0xE0;
	[tilespmem:v6+s17+$0x0] =	vst.idx.msk $0xffff, v10;
	v6 =	vnsel vm10, $0x0, v5  }
0xc4: {  	vm11 =	veq.s32 v9, $0xE1;
	v19 =	vnsel vm1, $0x0, v5;
	[tilespmem:v7+s17+$0x0] =	vst.idx.msk $0xffff, v6  }
0xc5: {  	v5 =	vnsel vm11, $0x0, v5;
	[tilespmem:v8+s17+$0x0] =	vst.idx.msk $0xffff, v19  }
0xc6: {  	[tilespmem:v4+s17+$0x0] =	vst.idx.msk $0xffff, v5  }
0xc7: {  	v4 =	vld [tilespmem:s0+$0x3110]  }
0xc8: {  	s1 =	sadd.s32 $0x20, s30;
	v5 =	vld [tilespmem:s0+$0x10]  }
0xc9: {  	v6 =	vor.u32 s1, v0  }
0xca: {  	v7 =	vor.u32 s1, v1  }
0xcb: {  	v20 =	vadd.s32 s1, v2  }
0xcc: {  	v21 =	vsub.s32 v4, v6;
	vm12 =	veq.s32 v4, v6;
	v4 =	vadd.s32 s1, v3  }
0xcd: {  	v22 =	vnsel vm12, $0x0, v5;
	vm13 =	veq.s32 v21, $0x1  }
0xce: {  	vm14 =	veq.s32 v21, $0xE0;
	[tilespmem:v6+s17+$0x0] =	vst.idx.msk $0xffff, v22;
	v6 =	vnsel vm13, $0x0, v5  }
0xcf: {  	vm15 =	veq.s32 v21, $0xE1;
	v23 =	vnsel vm14, $0x0, v5;
	[tilespmem:v7+s17+$0x0] =	vst.idx.msk $0xffff, v6  }
0xd0: {  	v5 =	vnsel vm15, $0x0, v5;
	[tilespmem:v20+s17+$0x0] =	vst.idx.msk $0xffff, v23  }
0xd1: {  	[tilespmem:v4+s17+$0x0] =	vst.idx.msk $0xffff, v5  }
0xd2: {  	v4 =	vld [tilespmem:s0+$0x3120]  }
0xd3: {  	s12 =	sadd.s32 $0x40, s30;
	v5 =	vld [tilespmem:s0+$0x20]  }
0xd4: {  	v6 =	vor.u32 s12, v0  }
0xd5: {  	v7 =	vor.u32 s12, v1  }
0xd6: {  	v24 =	vadd.s32 s12, v2  }
0xd7: {  	v25 =	vsub.s32 v4, v6;
	vm4 =	veq.s32 v4, v6;
	v4 =	vadd.s32 s12, v3  }
0xd8: {  	v26 =	vnsel vm4, $0x0, v5;
	vm5 =	veq.s32 v25, $0x1  }
0xd9: {  	vm6 =	veq.s32 v25, $0xE0;
	[tilespmem:v6+s17+$0x0] =	vst.idx.msk $0xffff, v26;
	v6 =	vnsel vm5, $0x0, v5  }
0xda: {  	vm7 =	veq.s32 v25, $0xE1;
	v27 =	vnsel vm6, $0x0, v5;
	[tilespmem:v7+s17+$0x0] =	vst.idx.msk $0xffff, v6  }
0xdb: {  	v5 =	vnsel vm7, $0x0, v5;
	[tilespmem:v24+s17+$0x0] =	vst.idx.msk $0xffff, v27  }
0xdc: {  	[tilespmem:v4+s17+$0x0] =	vst.idx.msk $0xffff, v5  }
0xdd: {  	v4 =	vld [tilespmem:s0+$0x3130]  }
0xde: {  	s31 =	sadd.s32 $0x60, s30;
	v5 =	vld [tilespmem:s0+$0x30]  }
0xdf: {  	v6 =	vor.u32 s31, v0  }
0xe0: {  	v7 =	vor.u32 s31, v1  }
0xe1: {  	v28 =	vadd.s32 s31, v2  }
0xe2: {  	v29 =	vsub.s32 v4, v6;
	vm8 =	veq.s32 v4, v6;
	v4 =	vadd.s32 s31, v3  }
0xe3: {  	v30 =	vnsel vm8, $0x0, v5;
	vm9 =	veq.s32 v29, $0x1  }
0xe4: {  	vm10 =	veq.s32 v29, $0xE0;
	[tilespmem:v6+s17+$0x0] =	vst.idx.msk $0xffff, v30;
	v6 =	vnsel vm9, $0x0, v5  }
0xe5: {  	vm11 =	veq.s32 v29, $0xE1;
	v31 =	vnsel vm10, $0x0, v5;
	[tilespmem:v7+s17+$0x0] =	vst.idx.msk $0xffff, v6  }
0xe6: {  	v5 =	vnsel vm11, $0x0, v5;
	[tilespmem:v28+s17+$0x0] =	vst.idx.msk $0xffff, v31  }
0xe7: {  	[tilespmem:v4+s17+$0x0] =	vst.idx.msk $0xffff, v5  }
0xe8: {  	v4 =	vld [tilespmem:s0+$0x3140]  }
0xe9: {  	s12 =	sadd.s32 $0x80, s30;
	v5 =	vld [tilespmem:s0+$0x40]  }
0xea: {  	v6 =	vor.u32 s12, v0  }
0xeb: {  	v7 =	vor.u32 s12, v1  }
0xec: {  	v32 =	vadd.s32 s12, v2  }
0xed: {  	v33 =	vsub.s32 v4, v6;
	vm12 =	veq.s32 v4, v6;
	v4 =	vadd.s32 s12, v3  }
0xee: {  	v34 =	vnsel vm12, $0x0, v5;
	vm13 =	veq.s32 v33, $0x1  }
0xef: {  	vm14 =	veq.s32 v33, $0xE0;
	[tilespmem:v6+s17+$0x0] =	vst.idx.msk $0xffff, v34;
	v6 =	vnsel vm13, $0x0, v5  }
0xf0: {  	vm15 =	veq.s32 v33, $0xE1;
	v35 =	vnsel vm14, $0x0, v5;
	[tilespmem:v7+s17+$0x0] =	vst.idx.msk $0xffff, v6  }
0xf1: {  	v5 =	vnsel vm15, $0x0, v5;
	[tilespmem:v32+s17+$0x0] =	vst.idx.msk $0xffff, v35  }
0xf2: {  	[tilespmem:v4+s17+$0x0] =	vst.idx.msk $0xffff, v5  }
0xf3: {  	v4 =	vld [tilespmem:s0+$0x3150]  }
0xf4: {  	s31 =	sadd.s32 $0xA0, s30;
	v5 =	vld [tilespmem:s0+$0x50]  }
0xf5: {  	v6 =	vor.u32 s31, v0  }
0xf6: {  	v7 =	vor.u32 s31, v1  }
0xf7: {  	v36 =	vadd.s32 s31, v2  }
0xf8: {  	v37 =	vsub.s32 v4, v6;
	vm4 =	veq.s32 v4, v6;
	v4 =	vadd.s32 s31, v3  }
0xf9: {  	v38 =	vnsel vm4, $0x0, v5;
	vm5 =	veq.s32 v37, $0x1  }
0xfa: {  	vm6 =	veq.s32 v37, $0xE0;
	[tilespmem:v6+s17+$0x0] =	vst.idx.msk $0xffff, v38;
	v6 =	vnsel vm5, $0x0, v5  }
0xfb: {  	vm7 =	veq.s32 v37, $0xE1;
	v39 =	vnsel vm6, $0x0, v5;
	[tilespmem:v7+s17+$0x0] =	vst.idx.msk $0xffff, v6  }
0xfc: {  	v5 =	vnsel vm7, $0x0, v5;
	[tilespmem:v36+s17+$0x0] =	vst.idx.msk $0xffff, v39  }
0xfd: {  	[tilespmem:v4+s17+$0x0] =	vst.idx.msk $0xffff, v5  }
0xfe: {  	v4 =	vld [tilespmem:s0+$0x3160]  }
0xff: {  	s12 =	sadd.s32 $0xC0, s30;
	v5 =	vld [tilespmem:s0+$0x60]  }
0x100: {  	v6 =	vor.u32 s12, v0  }
0x101: {  	v7 =	vor.u32 s12, v1  }
0x102: {  	v40 =	vadd.s32 s12, v2  }
0x103: {  	v41 =	vsub.s32 v4, v6;
	vm8 =	veq.s32 v4, v6;
	v4 =	vadd.s32 s12, v3  }
0x104: {  	s26 =	smul.u32 $0x31000, s26;
	v42 =	vnsel vm8, $0x0, v5;
	vm9 =	veq.s32 v41, $0x1  }
0x105: {  	vm10 =	veq.s32 v41, $0xE0;
	[tilespmem:v6+s17+$0x0] =	vst.idx.msk $0xffff, v42;
	v6 =	vnsel vm9, $0x0, v5  }
0x106: {  	s30 =	sor.u32 s29, s26;
	vm11 =	veq.s32 v41, $0xE1;
	v43 =	vnsel vm10, $0x0, v5;
	[tilespmem:v7+s17+$0x0] =	vst.idx.msk $0xffff, v6  }
0x107: {  	s0 =	sshrl.u32 s30, $0x3;
	v5 =	vnsel vm11, $0x0, v5;
	[tilespmem:v40+s17+$0x0] =	vst.idx.msk $0xffff, v43  }
0x108: {  	p0 =	seq.s32 s24, $0x2F;
	s0 =	sadd.s32 s6, s0;
	[tilespmem:v4+s17+$0x0] =	vst.idx.msk $0xffff, v5  }
0x109: {  	[hbm4b:s0+s10] =	stream.strided.scatter [tilespmem:s17], [sflag:$0x5], $0x6200, s11, s10, $0x38;
	[tilespmem:$0x12600] =	vst v63  }
0x10a: {  	s0 =	sadd.s32 @!p0 $0x2, s28  }
0x10b: {  	_ =	swait.ge [sflag:s18], $0x1880;
	s1 =	sshrl.u32 @!p0 s0, $0x3  }
0x10c: {  	s0 =	sshll.u32 @!p0 s0, $0x7;
	[sflag:s18] =	ssyncset.done $0x0;
	s1 =	smul.u32 @!p0 $0xC400, s1  }
0x10d: {  	s0 =	sand.u32 @!p0 $0x300, s0;
	[sflag:s18] =	ssyncadd.s32 $0xFFFFE780  }
0x10e: {  	s29 =	simm.s32 @!p0 $0x0;
	_ =	swait.ge [sflag:s19], $0x1880;
	s0 =	sor.u32 @!p0 s0, s1  }
0x10f: {  	s12 =	simm.s32 @!p0 $0x80;
	[sflag:s19] =	ssyncset.done $0x0;
	s0 =	sshrl.u32 @!p0 s0, $0x3  }
0x110: {  	s28 =	simm.s32 @!p0 $0x400;
	[sflag:s19] =	ssyncadd.s32 $0xFFFFE780;
	s1 =	sadd.s32 @!p0 s2, s0  }
0x111: {  	[tilespmem:s29], [sflag:$0x1] =	stream.strided.gather @!p0 [hbm4b:s1+s12], $0x1880, s28, s12, $0x38;
	[tilespmem:$0x12600] =	vst v63  }
0x112: {  	p1 =	seq.s32 @!p0 s24, $0x0;
	s0 =	sadd.s32 @!p0 s5, s0;
	s1 =	simm.s32 @!p0 $0x3100  }
0x113: {  	[tilespmem:s1], [sflag:$0x3] =	stream.strided.gather @!p0 [hbm4b:s0+s12], $0x1880, s28, s12, $0x38;
	[tilespmem:$0x12600] =	vst v63  }
0x114: {  	p0 =	por p0, !p1  }
0x115: {  	_ =	swait.ge @p0 [sflag:s22], $0x6200  }
0x116: {  	[sflag:s22] =	ssyncset.done @p0 $0x0  }
0x117: {  	s0 =	simm.s32 $0x0;
	[sflag:s22] =	ssyncadd.s32 @p0 $0xFFFF9E00  }
0x118: {  	v4 =	vld [tilespmem:s0+$0x4980];
	_ =	sdelay $0x1  }
0x119: {  	s31 =	simm.s32 $0x0;
	v5 =	vld [tilespmem:s0+$0x1880]  }
0x11a: {  	v6 =	vor.u32 s31, v0  }
0x11b: {  	v7 =	vor.u32 s31, v1  }
0x11c: {  	v44 =	vadd.s32 s31, v2;
	v4 =	vadd.s32 $0xFFFF9E00, v4  }
0x11d: {  	v45 =	vsub.s32 v4, v6;
	vm12 =	veq.s32 v4, v6;
	v4 =	vadd.s32 s31, v3  }
0x11e: {  	v46 =	vnsel vm12, $0x0, v5;
	vm13 =	veq.s32 v45, $0x1  }
0x11f: {  	vm14 =	veq.s32 v45, $0xE0;
	[tilespmem:v6+s20+$0x0] =	vst.idx.msk $0xffff, v46;
	v6 =	vnsel vm13, $0x0, v5  }
0x120: {  	vm15 =	veq.s32 v45, $0xE1;
	[tilespmem:v7+s20+$0x0] =	vst.idx.msk $0xffff, v6;
	v6 =	vnsel vm14, $0x0, v5  }
0x121: {  	v5 =	vnsel vm15, $0x0, v5;
	[tilespmem:v44+s20+$0x0] =	vst.idx.msk $0xffff, v6  }
0x122: {  	[tilespmem:v4+s20+$0x0] =	vst.idx.msk $0xffff, v5  }
0x123: {  	v4 =	vld [tilespmem:s0+$0x4990];
	_ =	sdelay $0x1  }
0x124: {  	s12 =	simm.s32 $0x20;
	v5 =	vld [tilespmem:s0+$0x1890]  }
0x125: {  	v6 =	vor.u32 s12, v0  }
0x126: {  	v7 =	vor.u32 s12, v1  }
0x127: {  	v47 =	vadd.s32 s12, v2;
	v4 =	vadd.s32 $0xFFFF9E00, v4  }
0x128: {  	v48 =	vsub.s32 v4, v6;
	vm4 =	veq.s32 v4, v6;
	v4 =	vadd.s32 s12, v3  }
0x129: {  	v49 =	vnsel vm4, $0x0, v5;
	vm5 =	veq.s32 v48, $0x1  }
0x12a: {  	vm6 =	veq.s32 v48, $0xE0;
	[tilespmem:v6+s20+$0x0] =	vst.idx.msk $0xffff, v49;
	v6 =	vnsel vm5, $0x0, v5  }
0x12b: {  	vm7 =	veq.s32 v48, $0xE1;
	[tilespmem:v7+s20+$0x0] =	vst.idx.msk $0xffff, v6;
	v6 =	vnsel vm6, $0x0, v5  }
0x12c: {  	v5 =	vnsel vm7, $0x0, v5;
	[tilespmem:v47+s20+$0x0] =	vst.idx.msk $0xffff, v6  }
0x12d: {  	[tilespmem:v4+s20+$0x0] =	vst.idx.msk $0xffff, v5  }
0x12e: {  	v4 =	vld [tilespmem:s0+$0x49A0];
	_ =	sdelay $0x1  }
0x12f: {  	s30 =	simm.s32 $0x40;
	v5 =	vld [tilespmem:s0+$0x18A0]  }
0x130: {  	v6 =	vor.u32 s30, v0  }
0x131: {  	v7 =	vor.u32 s30, v1  }
0x132: {  	v50 =	vadd.s32 s30, v2;
	v4 =	vadd.s32 $0xFFFF9E00, v4  }
0x133: {  	v51 =	vsub.s32 v4, v6;
	vm8 =	veq.s32 v4, v6;
	v4 =	vadd.s32 s30, v3  }
0x134: {  	v52 =	vnsel vm8, $0x0, v5;
	vm9 =	veq.s32 v51, $0x1  }
0x135: {  	vm10 =	veq.s32 v51, $0xE0;
	[tilespmem:v6+s20+$0x0] =	vst.idx.msk $0xffff, v52;
	v6 =	vnsel vm9, $0x0, v5  }
0x136: {  	vm11 =	veq.s32 v51, $0xE1;
	[tilespmem:v7+s20+$0x0] =	vst.idx.msk $0xffff, v6;
	v6 =	vnsel vm10, $0x0, v5  }
0x137: {  	v5 =	vnsel vm11, $0x0, v5;
	[tilespmem:v50+s20+$0x0] =	vst.idx.msk $0xffff, v6  }
0x138: {  	[tilespmem:v4+s20+$0x0] =	vst.idx.msk $0xffff, v5  }
0x139: {  	v4 =	vld [tilespmem:s0+$0x49B0];
	_ =	sdelay $0x1  }
0x13a: {  	s31 =	simm.s32 $0x60;
	v5 =	vld [tilespmem:s0+$0x18B0]  }
0x13b: {  	v6 =	vor.u32 s31, v0  }
0x13c: {  	v7 =	vor.u32 s31, v1  }
0x13d: {  	v53 =	vadd.s32 s31, v2;
	v4 =	vadd.s32 $0xFFFF9E00, v4  }
0x13e: {  	v54 =	vsub.s32 v4, v6;
	vm12 =	veq.s32 v4, v6;
	v4 =	vadd.s32 s31, v3  }
0x13f: {  	v55 =	vnsel vm12, $0x0, v5;
	vm13 =	veq.s32 v54, $0x1  }
0x140: {  	vm14 =	veq.s32 v54, $0xE0;
	[tilespmem:v6+s20+$0x0] =	vst.idx.msk $0xffff, v55;
	v6 =	vnsel vm13, $0x0, v5  }
0x141: {  	vm15 =	veq.s32 v54, $0xE1;
	[tilespmem:v7+s20+$0x0] =	vst.idx.msk $0xffff, v6;
	v6 =	vnsel vm14, $0x0, v5  }
0x142: {  	v5 =	vnsel vm15, $0x0, v5;
	[tilespmem:v53+s20+$0x0] =	vst.idx.msk $0xffff, v6  }
0x143: {  	[tilespmem:v4+s20+$0x0] =	vst.idx.msk $0xffff, v5  }
0x144: {  	v4 =	vld [tilespmem:s0+$0x49C0];
	_ =	sdelay $0x1  }
0x145: {  	s12 =	simm.s32 $0x80;
	v5 =	vld [tilespmem:s0+$0x18C0]  }
0x146: {  	v6 =	vor.u32 s12, v0  }
0x147: {  	v7 =	vor.u32 s12, v1  }
0x148: {  	v56 =	vadd.s32 s12, v2;
	v4 =	vadd.s32 $0xFFFF9E00, v4  }
0x149: {  	v57 =	vsub.s32 v4, v6;
	vm4 =	veq.s32 v4, v6;
	v4 =	vadd.s32 s12, v3  }
0x14a: {  	v58 =	vnsel vm4, $0x0, v5;
	vm5 =	veq.s32 v57, $0x1  }
0x14b: {  	vm6 =	veq.s32 v57, $0xE0;
	[tilespmem:v6+s20+$0x0] =	vst.idx.msk $0xffff, v58;
	v6 =	vnsel vm5, $0x0, v5  }
0x14c: {  	vm7 =	veq.s32 v57, $0xE1;
	[tilespmem:v7+s20+$0x0] =	vst.idx.msk $0xffff, v6;
	v6 =	vnsel vm6, $0x0, v5  }
0x14d: {  	v5 =	vnsel vm7, $0x0, v5;
	[tilespmem:v56+s20+$0x0] =	vst.idx.msk $0xffff, v6  }
0x14e: {  	[tilespmem:v4+s20+$0x0] =	vst.idx.msk $0xffff, v5  }
0x14f: {  	v4 =	vld [tilespmem:s0+$0x49D0];
	_ =	sdelay $0x1  }
0x150: {  	s30 =	simm.s32 $0xA0;
	v5 =	vld [tilespmem:s0+$0x18D0]  }
0x151: {  	v6 =	vor.u32 s30, v0  }
0x152: {  	v7 =	vor.u32 s30, v1  }
0x153: {  	v59 =	vadd.s32 s30, v2;
	v4 =	vadd.s32 $0xFFFF9E00, v4  }
0x154: {  	v60 =	vsub.s32 v4, v6;
	vm8 =	veq.s32 v4, v6;
	v4 =	vadd.s32 s30, v3  }
0x155: {  	v61 =	vnsel vm8, $0x0, v5;
	vm9 =	veq.s32 v60, $0x1  }
0x156: {  	vm10 =	veq.s32 v60, $0xE0;
	[tilespmem:v6+s20+$0x0] =	vst.idx.msk $0xffff, v61;
	v6 =	vnsel vm9, $0x0, v5  }
0x157: {  	vm11 =	veq.s32 v60, $0xE1;
	[tilespmem:v7+s20+$0x0] =	vst.idx.msk $0xffff, v6;
	v6 =	vnsel vm10, $0x0, v5  }
0x158: {  	v5 =	vnsel vm11, $0x0, v5;
	[tilespmem:v59+s20+$0x0] =	vst.idx.msk $0xffff, v6  }
0x159: {  	[tilespmem:v4+s20+$0x0] =	vst.idx.msk $0xffff, v5  }
0x15a: {  	v4 =	vld [tilespmem:s0+$0x49E0];
	_ =	sdelay $0x1  }
0x15b: {  	s31 =	simm.s32 $0xC0;
	v5 =	vld [tilespmem:s0+$0x18E0]  }
0x15c: {  	v6 =	vor.u32 s31, v0  }
0x15d: {  	v7 =	vor.u32 s31, v1  }
0x15e: {  	v4 =	vadd.s32 $0xFFFF9E00, v4  }
0x15f: {  	v63 =	vsub.s32 v4, v6;
	vm12 =	veq.s32 v4, v6  }
0x160: {  	v62 =	vadd.s32 s31, v2;
	v4 =	vnsel vm12, $0x0, v5;
	vm13 =	veq.s32 v63, $0x1  }
0x161: {  	[tilespmem:v6+s20+$0x0] =	vst.idx.msk $0xffff, v4;
	v4 =	vnsel vm13, $0x0, v5  }
0x162: {  	[tilespmem:v7+s20+$0x0] =	vst.idx.msk $0xffff, v4;
	v4 =	vadd.s32 s31, v3  }
0x163: {  	vm14 =	veq.s32 v63, $0xE0  }
0x164: {  	vm15 =	veq.s32 v63, $0xE1;
	v6 =	vnsel vm14, $0x0, v5  }
0x165: {  	s29 =	simm.s32 $0x380;
	s28 =	simm.s32 $0x1C0;
	v5 =	vnsel vm15, $0x0, v5;
	[tilespmem:v62+s20+$0x0] =	vst.idx.msk $0xffff, v6  }
.LBB2_5:
0x166: {  	p0 =	sne.s32 s29, $0x6040  }
0x167: {  	s31 =	sshra.s32 s28, $0x2;
	[tilespmem:v4+s20+$0x0] =	vst.idx.msk $0xffff, v5;
	s30 =	smov.u32 s29;
	s29 =	sadd.s32 $0x1C0, s29  }
0x168: {  	v4 =	vld [tilespmem:s31+$0x4980];
	_ =	sdelay $0x1  }
0x169: {  	v5 =	vld [tilespmem:s31+$0x1880]  }
0x16a: {  	v6 =	vor.u32 s28, v0  }
0x16b: {  	v7 =	vor.u32 s28, v1  }
0x16c: {  	v8 =	vadd.s32 s28, v2;
	v4 =	vadd.s32 $0xFFFF9E00, v4  }
0x16d: {  	v9 =	vsub.s32 v4, v6;
	vm0 =	veq.s32 v4, v6;
	v4 =	vadd.s32 s28, v3  }
0x16e: {  	v10 =	vnsel vm0, $0x0, v5;
	vm0 =	veq.s32 v9, $0x1;
	vm1 =	veq.s32 v9, $0xE0  }
0x16f: {  	[tilespmem:v6+s20+$0x0] =	vst.idx.msk $0xffff, v10;
	v6 =	vnsel vm0, $0x0, v5;
	vm0 =	veq.s32 v9, $0xE1  }
0x170: {  	[tilespmem:v7+s20+$0x0] =	vst.idx.msk $0xffff, v6;
	v6 =	vnsel vm1, $0x0, v5;
	v5 =	vnsel vm0, $0x0, v5  }
0x171: {  	[tilespmem:v8+s20+$0x0] =	vst.idx.msk $0xffff, v6  }
0x172: {  	[tilespmem:v4+s20+$0x0] =	vst.idx.msk $0xffff, v5  }
0x173: {  	v4 =	vld [tilespmem:s31+$0x4990];
	_ =	sdelay $0x1  }
0x174: {  	s0 =	sadd.s32 $0x20, s28;
	v5 =	vld [tilespmem:s31+$0x1890]  }
0x175: {  	v6 =	vor.u32 s0, v0  }
0x176: {  	v7 =	vor.u32 s0, v1  }
0x177: {  	v8 =	vadd.s32 s0, v2;
	v4 =	vadd.s32 $0xFFFF9E00, v4  }
0x178: {  	v9 =	vsub.s32 v4, v6;
	vm0 =	veq.s32 v4, v6;
	v4 =	vadd.s32 s0, v3  }
0x179: {  	v10 =	vnsel vm0, $0x0, v5;
	vm0 =	veq.s32 v9, $0x1;
	vm1 =	veq.s32 v9, $0xE0  }
0x17a: {  	[tilespmem:v6+s20+$0x0] =	vst.idx.msk $0xffff, v10;
	v6 =	vnsel vm0, $0x0, v5;
	vm0 =	veq.s32 v9, $0xE1  }
0x17b: {  	[tilespmem:v7+s20+$0x0] =	vst.idx.msk $0xffff, v6;
	v6 =	vnsel vm1, $0x0, v5;
	v5 =	vnsel vm0, $0x0, v5  }
0x17c: {  	[tilespmem:v8+s20+$0x0] =	vst.idx.msk $0xffff, v6  }
0x17d: {  	[tilespmem:v4+s20+$0x0] =	vst.idx.msk $0xffff, v5  }
0x17e: {  	v4 =	vld [tilespmem:s31+$0x49A0];
	_ =	sdelay $0x1  }
0x17f: {  	s0 =	sadd.s32 $0x40, s28;
	v5 =	vld [tilespmem:s31+$0x18A0]  }
0x180: {  	v6 =	vor.u32 s0, v0  }
0x181: {  	v7 =	vor.u32 s0, v1  }
0x182: {  	v8 =	vadd.s32 s0, v2;
	v4 =	vadd.s32 $0xFFFF9E00, v4  }
0x183: {  	v9 =	vsub.s32 v4, v6;
	vm0 =	veq.s32 v4, v6;
	v4 =	vadd.s32 s0, v3  }
0x184: {  	v10 =	vnsel vm0, $0x0, v5;
	vm0 =	veq.s32 v9, $0x1;
	vm1 =	veq.s32 v9, $0xE0  }
0x185: {  	[tilespmem:v6+s20+$0x0] =	vst.idx.msk $0xffff, v10;
	v6 =	vnsel vm0, $0x0, v5;
	vm0 =	veq.s32 v9, $0xE1  }
0x186: {  	[tilespmem:v7+s20+$0x0] =	vst.idx.msk $0xffff, v6;
	v6 =	vnsel vm1, $0x0, v5;
	v5 =	vnsel vm0, $0x0, v5  }
0x187: {  	[tilespmem:v8+s20+$0x0] =	vst.idx.msk $0xffff, v6  }
0x188: {  	[tilespmem:v4+s20+$0x0] =	vst.idx.msk $0xffff, v5  }
0x189: {  	v4 =	vld [tilespmem:s31+$0x49B0];
	_ =	sdelay $0x1  }
0x18a: {  	s0 =	sadd.s32 $0x60, s28;
	v5 =	vld [tilespmem:s31+$0x18B0]  }
0x18b: {  	v6 =	vor.u32 s0, v0  }
0x18c: {  	v7 =	vor.u32 s0, v1  }
0x18d: {  	v8 =	vadd.s32 s0, v2;
	v4 =	vadd.s32 $0xFFFF9E00, v4  }
0x18e: {  	v9 =	vsub.s32 v4, v6;
	vm0 =	veq.s32 v4, v6;
	v4 =	vadd.s32 s0, v3  }
0x18f: {  	v10 =	vnsel vm0, $0x0, v5;
	vm0 =	veq.s32 v9, $0x1;
	vm1 =	veq.s32 v9, $0xE0  }
0x190: {  	[tilespmem:v6+s20+$0x0] =	vst.idx.msk $0xffff, v10;
	v6 =	vnsel vm0, $0x0, v5;
	vm0 =	veq.s32 v9, $0xE1  }
0x191: {  	[tilespmem:v7+s20+$0x0] =	vst.idx.msk $0xffff, v6;
	v6 =	vnsel vm1, $0x0, v5;
	v5 =	vnsel vm0, $0x0, v5  }
0x192: {  	[tilespmem:v8+s20+$0x0] =	vst.idx.msk $0xffff, v6  }
0x193: {  	[tilespmem:v4+s20+$0x0] =	vst.idx.msk $0xffff, v5  }
0x194: {  	v4 =	vld [tilespmem:s31+$0x49C0]  }
0x195: {  	v5 =	vld [tilespmem:s31+$0x18C0]  }
0x196: {  	s0 =	sadd.s32 $0x80, s28  }
0x197: {  	v6 =	vor.u32 s0, v0  }
0x198: {  	v7 =	vor.u32 s0, v1  }
0x199: {  	v8 =	vadd.s32 s0, v2;
	v4 =	vadd.s32 $0xFFFF9E00, v4  }
0x19a: {  	v9 =	vsub.s32 v4, v6;
	vm0 =	veq.s32 v4, v6;
	v4 =	vadd.s32 s0, v3  }
0x19b: {  	v10 =	vnsel vm0, $0x0, v5;
	vm0 =	veq.s32 v9, $0x1;
	vm1 =	veq.s32 v9, $0xE0  }
0x19c: {  	[tilespmem:v6+s20+$0x0] =	vst.idx.msk $0xffff, v10;
	v6 =	vnsel vm0, $0x0, v5;
	vm0 =	veq.s32 v9, $0xE1  }
0x19d: {  	[tilespmem:v7+s20+$0x0] =	vst.idx.msk $0xffff, v6;
	v6 =	vnsel vm1, $0x0, v5;
	v5 =	vnsel vm0, $0x0, v5  }
0x19e: {  	[tilespmem:v8+s20+$0x0] =	vst.idx.msk $0xffff, v6  }
0x19f: {  	[tilespmem:v4+s20+$0x0] =	vst.idx.msk $0xffff, v5  }
0x1a0: {  	v4 =	vld [tilespmem:s31+$0x49D0]  }
0x1a1: {  	v5 =	vld [tilespmem:s31+$0x18D0]  }
0x1a2: {  	s0 =	sadd.s32 $0xA0, s28  }
0x1a3: {  	v6 =	vor.u32 s0, v0  }
0x1a4: {  	v7 =	vor.u32 s0, v1  }
0x1a5: {  	v8 =	vadd.s32 s0, v2;
	v4 =	vadd.s32 $0xFFFF9E00, v4  }
0x1a6: {  	v9 =	vsub.s32 v4, v6;
	vm0 =	veq.s32 v4, v6;
	v4 =	vadd.s32 s0, v3  }
0x1a7: {  	v10 =	vnsel vm0, $0x0, v5;
	vm0 =	veq.s32 v9, $0x1;
	vm1 =	veq.s32 v9, $0xE0  }
0x1a8: {  	[tilespmem:v6+s20+$0x0] =	vst.idx.msk $0xffff, v10;
	v6 =	vnsel vm0, $0x0, v5;
	vm0 =	veq.s32 v9, $0xE1  }
0x1a9: {  	[tilespmem:v7+s20+$0x0] =	vst.idx.msk $0xffff, v6;
	v6 =	vnsel vm1, $0x0, v5;
	v5 =	vnsel vm0, $0x0, v5  }
0x1aa: {  	[tilespmem:v8+s20+$0x0] =	vst.idx.msk $0xffff, v6  }
0x1ab: {  	[tilespmem:v4+s20+$0x0] =	vst.idx.msk $0xffff, v5  }
0x1ac: {  	v4 =	vld [tilespmem:s31+$0x49E0]  }
0x1ad: {  	v5 =	vld [tilespmem:s31+$0x18E0]  }
0x1ae: {  	s0 =	sadd.s32 $0xC0, s28;
	s28 =	smov.u32 s30  }
0x1af: {  	v6 =	vor.u32 s0, v0  }
0x1b0: {  	v7 =	vor.u32 s0, v1  }
0x1b1: {  	v8 =	vadd.s32 s0, v2;
	v4 =	vadd.s32 $0xFFFF9E00, v4  }
.Ltmp1:
0x1b2: {  	v9 =	vsub.s32 v4, v6;
	vm0 =	veq.s32 v4, v6;
	v4 =	vadd.s32 s0, v3;
	(pc) =	sbr.rel @p0 .LBB2_5-.Ltmp1, $4  }
0x1b3: {  	v10 =	vnsel vm0, $0x0, v5;
	vm0 =	veq.s32 v9, $0x1;
	vm1 =	veq.s32 v9, $0xE0  }
0x1b4: {  	[tilespmem:v6+s20+$0x0] =	vst.idx.msk $0xffff, v10;
	v6 =	vnsel vm0, $0x0, v5;
	vm0 =	veq.s32 v9, $0xE1  }
0x1b5: {  	[tilespmem:v7+s20+$0x0] =	vst.idx.msk $0xffff, v6;
	v6 =	vnsel vm1, $0x0, v5;
	v5 =	vnsel vm0, $0x0, v5  }
0x1b6: {  	[tilespmem:v8+s20+$0x0] =	vst.idx.msk $0xffff, v6  }
0x1b7: {  	_ =	sdelay $0x3  }
0x1b8: {  	s0 =	sshra.s32 s28, $0x2;
	[tilespmem:v4+s20+$0x0] =	vst.idx.msk $0xffff, v5  }
0x1b9: {  	v4 =	vld [tilespmem:s0+$0x4980];
	_ =	sdelay $0x1  }
0x1ba: {  	v5 =	vld [tilespmem:s0+$0x1880]  }
0x1bb: {  	v6 =	vor.u32 s28, v0  }
0x1bc: {  	v7 =	vor.u32 s28, v1  }
0x1bd: {  	v8 =	vadd.s32 s28, v2;
	v4 =	vadd.s32 $0xFFFF9E00, v4  }
0x1be: {  	v9 =	vsub.s32 v4, v6;
	vm0 =	veq.s32 v4, v6;
	v4 =	vadd.s32 s28, v3  }
0x1bf: {  	v10 =	vnsel vm0, $0x0, v5;
	vm14 =	veq.s32 v9, $0x1  }
0x1c0: {  	vm1 =	veq.s32 v9, $0xE0;
	[tilespmem:v6+s20+$0x0] =	vst.idx.msk $0xffff, v10;
	v20 =	vnsel vm14, $0x0, v5  }
0x1c1: {  	vm15 =	veq.s32 v9, $0xE1;
	v21 =	vnsel vm1, $0x0, v5;
	[tilespmem:v7+s20+$0x0] =	vst.idx.msk $0xffff, v20  }
0x1c2: {  	v5 =	vnsel vm15, $0x0, v5;
	[tilespmem:v8+s20+$0x0] =	vst.idx.msk $0xffff, v21  }
0x1c3: {  	[tilespmem:v4+s20+$0x0] =	vst.idx.msk $0xffff, v5  }
0x1c4: {  	v4 =	vld [tilespmem:s0+$0x4990];
	_ =	sdelay $0x1  }
0x1c5: {  	s1 =	sadd.s32 $0x20, s28;
	v5 =	vld [tilespmem:s0+$0x1890]  }
0x1c6: {  	v22 =	vor.u32 s1, v0  }
0x1c7: {  	v23 =	vor.u32 s1, v1  }
0x1c8: {  	v24 =	vadd.s32 s1, v2;
	v4 =	vadd.s32 $0xFFFF9E00, v4  }
0x1c9: {  	v25 =	vsub.s32 v4, v22;
	vm4 =	veq.s32 v4, v22;
	v4 =	vadd.s32 s1, v3  }
0x1ca: {  	v26 =	vnsel vm4, $0x0, v5;
	vm5 =	veq.s32 v25, $0x1  }
0x1cb: {  	vm6 =	veq.s32 v25, $0xE0;
	[tilespmem:v22+s20+$0x0] =	vst.idx.msk $0xffff, v26;
	v27 =	vnsel vm5, $0x0, v5  }
0x1cc: {  	vm7 =	veq.s32 v25, $0xE1;
	v28 =	vnsel vm6, $0x0, v5;
	[tilespmem:v23+s20+$0x0] =	vst.idx.msk $0xffff, v27  }
0x1cd: {  	v5 =	vnsel vm7, $0x0, v5;
	[tilespmem:v24+s20+$0x0] =	vst.idx.msk $0xffff, v28  }
0x1ce: {  	[tilespmem:v4+s20+$0x0] =	vst.idx.msk $0xffff, v5  }
0x1cf: {  	v4 =	vld [tilespmem:s0+$0x49A0];
	_ =	sdelay $0x1  }
0x1d0: {  	s30 =	sadd.s32 $0x40, s28;
	v5 =	vld [tilespmem:s0+$0x18A0]  }
0x1d1: {  	v29 =	vor.u32 s30, v0  }
0x1d2: {  	v30 =	vor.u32 s30, v1  }
0x1d3: {  	v31 =	vadd.s32 s30, v2;
	v4 =	vadd.s32 $0xFFFF9E00, v4  }
0x1d4: {  	v32 =	vsub.s32 v4, v29;
	vm8 =	veq.s32 v4, v29;
	v4 =	vadd.s32 s30, v3  }
0x1d5: {  	v33 =	vnsel vm8, $0x0, v5;
	vm9 =	veq.s32 v32, $0x1  }
0x1d6: {  	vm10 =	veq.s32 v32, $0xE0;
	[tilespmem:v29+s20+$0x0] =	vst.idx.msk $0xffff, v33;
	v34 =	vnsel vm9, $0x0, v5  }
0x1d7: {  	vm11 =	veq.s32 v32, $0xE1;
	v35 =	vnsel vm10, $0x0, v5;
	[tilespmem:v30+s20+$0x0] =	vst.idx.msk $0xffff, v34  }
0x1d8: {  	v5 =	vnsel vm11, $0x0, v5;
	[tilespmem:v31+s20+$0x0] =	vst.idx.msk $0xffff, v35  }
0x1d9: {  	[tilespmem:v4+s20+$0x0] =	vst.idx.msk $0xffff, v5  }
0x1da: {  	v4 =	vld [tilespmem:s0+$0x49B0];
	_ =	sdelay $0x1  }
0x1db: {  	s31 =	sadd.s32 $0x60, s28;
	v5 =	vld [tilespmem:s0+$0x18B0]  }
0x1dc: {  	v36 =	vor.u32 s31, v0  }
0x1dd: {  	v37 =	vor.u32 s31, v1  }
0x1de: {  	v38 =	vadd.s32 s31, v2;
	v4 =	vadd.s32 $0xFFFF9E00, v4  }
0x1df: {  	v39 =	vsub.s32 v4, v36;
	vm12 =	veq.s32 v4, v36;
	v4 =	vadd.s32 s31, v3  }
0x1e0: {  	v40 =	vnsel vm12, $0x0, v5;
	vm13 =	veq.s32 v39, $0x1  }
0x1e1: {  	vm14 =	veq.s32 v39, $0xE0;
	[tilespmem:v36+s20+$0x0] =	vst.idx.msk $0xffff, v40;
	v41 =	vnsel vm13, $0x0, v5  }
0x1e2: {  	vm15 =	veq.s32 v39, $0xE1;
	v42 =	vnsel vm14, $0x0, v5;
	[tilespmem:v37+s20+$0x0] =	vst.idx.msk $0xffff, v41  }
0x1e3: {  	v5 =	vnsel vm15, $0x0, v5;
	[tilespmem:v38+s20+$0x0] =	vst.idx.msk $0xffff, v42  }
0x1e4: {  	[tilespmem:v4+s20+$0x0] =	vst.idx.msk $0xffff, v5  }
0x1e5: {  	v4 =	vld [tilespmem:s0+$0x49C0];
	_ =	sdelay $0x1  }
0x1e6: {  	s12 =	sadd.s32 $0x80, s28;
	v5 =	vld [tilespmem:s0+$0x18C0]  }
0x1e7: {  	v43 =	vor.u32 s12, v0  }
0x1e8: {  	v44 =	vor.u32 s12, v1  }
0x1e9: {  	v45 =	vadd.s32 s12, v2;
	v4 =	vadd.s32 $0xFFFF9E00, v4  }
0x1ea: {  	v46 =	vsub.s32 v4, v43;
	vm4 =	veq.s32 v4, v43;
	v4 =	vadd.s32 s12, v3  }
0x1eb: {  	v47 =	vnsel vm4, $0x0, v5;
	vm5 =	veq.s32 v46, $0x1  }
0x1ec: {  	vm6 =	veq.s32 v46, $0xE0;
	[tilespmem:v43+s20+$0x0] =	vst.idx.msk $0xffff, v47;
	v48 =	vnsel vm5, $0x0, v5  }
0x1ed: {  	vm7 =	veq.s32 v46, $0xE1;
	v49 =	vnsel vm6, $0x0, v5;
	[tilespmem:v44+s20+$0x0] =	vst.idx.msk $0xffff, v48  }
0x1ee: {  	v5 =	vnsel vm7, $0x0, v5;
	[tilespmem:v45+s20+$0x0] =	vst.idx.msk $0xffff, v49  }
0x1ef: {  	[tilespmem:v4+s20+$0x0] =	vst.idx.msk $0xffff, v5  }
0x1f0: {  	v4 =	vld [tilespmem:s0+$0x49D0];
	_ =	sdelay $0x1  }
0x1f1: {  	s29 =	sadd.s32 $0xA0, s28;
	v5 =	vld [tilespmem:s0+$0x18D0]  }
0x1f2: {  	v50 =	vor.u32 s29, v0  }
0x1f3: {  	v51 =	vor.u32 s29, v1  }
0x1f4: {  	v52 =	vadd.s32 s29, v2;
	v4 =	vadd.s32 $0xFFFF9E00, v4  }
0x1f5: {  	v53 =	vsub.s32 v4, v50;
	vm8 =	veq.s32 v4, v50;
	v4 =	vadd.s32 s29, v3  }
0x1f6: {  	v54 =	vnsel vm8, $0x0, v5;
	vm9 =	veq.s32 v53, $0x1  }
0x1f7: {  	vm10 =	veq.s32 v53, $0xE0;
	[tilespmem:v50+s20+$0x0] =	vst.idx.msk $0xffff, v54;
	v55 =	vnsel vm9, $0x0, v5  }
0x1f8: {  	vm11 =	veq.s32 v53, $0xE1;
	v56 =	vnsel vm10, $0x0, v5;
	[tilespmem:v51+s20+$0x0] =	vst.idx.msk $0xffff, v55  }
0x1f9: {  	v5 =	vnsel vm11, $0x0, v5;
	[tilespmem:v52+s20+$0x0] =	vst.idx.msk $0xffff, v56  }
0x1fa: {  	[tilespmem:v4+s20+$0x0] =	vst.idx.msk $0xffff, v5  }
0x1fb: {  	v4 =	vld [tilespmem:s0+$0x49E0];
	_ =	sdelay $0x1  }
0x1fc: {  	s30 =	sadd.s32 $0xC0, s28;
	v5 =	vld [tilespmem:s0+$0x18E0]  }
0x1fd: {  	v57 =	vor.u32 s30, v0  }
0x1fe: {  	v58 =	vor.u32 s30, v1  }
0x1ff: {  	v59 =	vadd.s32 s30, v2;
	v4 =	vadd.s32 $0xFFFF9E00, v4  }
0x200: {  	s24 =	sadd.s32 $0x1, s24;
	v60 =	vsub.s32 v4, v57;
	vm12 =	veq.s32 v4, v57;
	v4 =	vadd.s32 s30, v3  }
0x201: {  	p0 =	sne.s32 s24, $0x30;
	v61 =	vnsel vm12, $0x0, v5;
	vm13 =	veq.s32 v60, $0x1  }
.Ltmp2:
0x202: {  	vm14 =	veq.s32 v60, $0xE0;
	[tilespmem:v57+s20+$0x0] =	vst.idx.msk $0xffff, v61;
	v62 =	vnsel vm13, $0x0, v5;
	(pc) =	sbr.rel @p0 .LBB2_2-.Ltmp2, $4  }
0x203: {  	s31 =	sor.u32 s25, s26;
	vm15 =	veq.s32 v60, $0xE1;
	v63 =	vnsel vm14, $0x0, v5;
	[tilespmem:v58+s20+$0x0] =	vst.idx.msk $0xffff, v62  }
0x204: {  	s0 =	sshrl.u32 s31, $0x3;
	v5 =	vnsel vm15, $0x0, v5;
	[tilespmem:v59+s20+$0x0] =	vst.idx.msk $0xffff, v63  }
0x205: {  	s0 =	sadd.s32 s6, s0;
	[tilespmem:v4+s20+$0x0] =	vst.idx.msk $0xffff, v5  }
0x206: {  	[hbm4b:s0+s10] =	stream.strided.scatter [tilespmem:s20], [sflag:$0x6], $0x6200, s11, s10, $0x38;
	[tilespmem:$0x12600] =	vst v63  }
0x207: {  	s23 =	sadd.s32 $0x1, s23  }
0x208: {  	_ =	swait.ge [sflag:s21], $0x6200;
	p0 =	sne.s32 s23, s9  }
.Ltmp3:
0x209: {  	[sflag:s21] =	ssyncset.done $0x0;
	(pc) =	sbr.rel @p0 .LBB2_1-.Ltmp3, $4  }
0x20a: {  	[sflag:s21] =	ssyncadd.s32 $0xFFFF9E00  }
0x20b: {  	_ =	swait.ge [sflag:s22], $0x6200  }
0x20c: {  	[sflag:s22] =	ssyncset.done $0x0  }
0x20d: {  	[sflag:s22] =	ssyncadd.s32 $0xFFFF9E00  }
0x20e: {  	_ =	sfence.sel $0x180000  }
0x20f: {  	[bflag:$0x0] =	sbarrier.arrive $0xFFFF  }
0x210: {  	_ =	strace $0x90000047  }
0x211: {  	s0 =	stileid.u32;
	[bflag:$0x2] =	sbarrier.arrive $0xFFFF  }
0x212: {  	p0 =	sne.s32 s0, $0x0;
	s0 =	rddreg [dreg:$0x2]  }
0x213: {  	s0 =	sadd.s32 @!p0 $0x100000, s0  }
0x214: {  	[sflag:s0] =	ssyncadd.tile.s32 @!p0 $0x1;
	_ =	shalt  }
.Lfunc_end2:
_tile_overlayer_lowered:
.L_overlay_start_2:
0x215: {  	(tag) =	ssettag $0x2  }
0x216: {  	s0 =	rddreg [dreg:$0x0];
	s2 =	stileid.u32  }
0x217: {  	s1 =	rddreg [dreg:$0x1];
	p0 =	sne.s32 s2, $0x0  }
0x218: {  	s3 =	rddreg [dreg:$0x2];
	[bflag:$0x3] =	sbarrier.arrive $0xFFFF;
	s2 =	simm.s32 @!p0 $0x1C07  }
0x219: {  	[timem:s3], [sflag:s2] =	dma.local @!p0 [hbm:s0], s1  }
0x21a: {  	s0 =	simm.s32 @!p0 $0x7  }
0x21b: {  	_ =	swait.ge @!p0 [sflag:s0], s1  }
0x21c: {  	s1 =	ssub.s32 @!p0 $0x0, s1;
	[sflag:s0] =	ssyncset.done @!p0 $0x0  }
0x21d: {  	[sflag:s0] =	ssyncadd.s32 @!p0 s1  }
0x21e: {  	[bflag:$0x3] =	sbarrier.arrive $0xFFFF  }
0x21f: {  	_ =	shalt  }

</sc_bundles>
